<compile_context>
chip_gen: v7x
topology: tpu7x:2x2x1
jax: 0.10.2.dev20260603
libtpu: 0.0.44.dev20260713+nightly
codegen_flags: <defaults>
</compile_context>

<pallas_src>
import functools

import jax
import jax.numpy as jnp
from jax import lax
from jax.experimental import pallas as pl
from jax.experimental.pallas import tpu as pltpu
from jax.experimental.pallas import tpu_sc as plsc

N0 = 50000
E0 = 800000
HID = 64
HALF = 32
OUT = 2
ROWS = 2000

NC = 2
NS = 16
LANES = 16



def _front_body(x_ref, w1_ref, b1_ref, w2_ref, b2_ref, wg_ref, y_ref):
    x = x_ref[...]
    z = jnp.maximum(x @ w1_ref[...] + b1_ref[...], 0.0)
    z = jnp.maximum(z @ w2_ref[...] + b2_ref[...], 0.0)
    y_ref[...] = z @ wg_ref[...]


def _dense_front(x0, W_enc1, b_enc1, W_enc2, b_enc2, W_g0):
    full = lambda shape: pl.BlockSpec(shape, lambda i: (0, 0))
    return pl.pallas_call(
        _front_body,
        grid=(N0 // ROWS,),
        in_specs=[
            pl.BlockSpec((ROWS, HID), lambda i: (i, 0)),
            full((HID, HID)),
            full((1, HID)),
            full((HID, HID)),
            full((1, HID)),
            full((HID, HID)),
        ],
        out_specs=pl.BlockSpec((ROWS, HID), lambda i: (i, 0)),
        out_shape=jax.ShapeDtypeStruct((N0, HID), jnp.float32),
    )(x0, W_enc1, b_enc1.reshape(1, HID), W_enc2, b_enc2.reshape(1, HID), W_g0)



DEG_CE = 1000
DEG_EPT = E0 // (NC * NS)
DEG_CHUNKS = DEG_EPT // DEG_CE
DSTRIPE = 3200
DSTRIPE_LAST = N0 - (NS - 1) * DSTRIPE


def _deg_body(col_hbm, ew_hbm, out_hbm, T, cidx, ew_v, zv):
    c = lax.axis_index("c")
    s = lax.axis_index("s")
    base = (c * NS + s) * DEG_EPT
    r0 = s * DSTRIPE

    zeros16 = jnp.zeros((LANES,), jnp.float32)

    def zr(i, carry):
        zv[pl.ds(i * LANES, LANES)] = zeros16
        return carry

    lax.fori_loop(0, DSTRIPE // LANES, zr, 0)
    pl.when(s < NS - 1)(lambda: pltpu.sync_copy(
        zv.at[pl.ds(0, DSTRIPE)], T.at[pl.ds(r0, DSTRIPE)]))
    pl.when(s == NS - 1)(lambda: pltpu.sync_copy(
        zv.at[pl.ds(0, DSTRIPE_LAST)], T.at[pl.ds(r0, DSTRIPE_LAST)]))
    plsc.subcore_barrier()

    def chunk(t, carry):
        off = base + t * DEG_CE
        pltpu.sync_copy(col_hbm.at[pl.ds(off, DEG_CE)], cidx)
        pltpu.sync_copy(ew_hbm.at[pl.ds(off, DEG_CE)], ew_v)
        pltpu.sync_copy(ew_v, T.at[cidx], add=True)
        return carry

    lax.fori_loop(0, DEG_CHUNKS, chunk, 0)

    plsc.subcore_barrier()

    def cpout(n):
        def inner():
            pltpu.sync_copy(T.at[pl.ds(r0, n)], zv.at[pl.ds(0, n)])
            pltpu.sync_copy(zv.at[pl.ds(0, n)],
                            out_hbm.at[pl.ds(c * N0 + r0, n)])
        return inner

    pl.when(s < NS - 1)(cpout(DSTRIPE))
    pl.when(s == NS - 1)(cpout(DSTRIPE_LAST))


def _sc_deg(col, ew):
    mesh = plsc.VectorSubcoreMesh(core_axis_name="c", subcore_axis_name="s")
    f = pl.kernel(
        _deg_body,
        out_type=jax.ShapeDtypeStruct((NC * N0,), jnp.float32),
        mesh=mesh,
        scratch_types=[
            pltpu.VMEM_SHARED((N0,), jnp.float32),
            pltpu.VMEM((DEG_CE,), jnp.int32),
            pltpu.VMEM((DEG_CE,), jnp.float32),
            pltpu.VMEM((DSTRIPE,), jnp.float32),
        ],
    )
    return f(col, ew)




def _ys_body(y_ref, p0_ref, p1_ref, out_ref):
    deg = 1.0 + p0_ref[...] + p1_ref[...]
    dinv = lax.rsqrt(deg)
    ys = dinv * y_ref[...]
    out_ref[...] = jnp.concatenate(
        [ys, jnp.zeros((ROWS, 128 - HID), jnp.float32)], axis=-1)


def _build_ys2(y, p0, p1):
    return pl.pallas_call(
        _ys_body,
        grid=(N0 // ROWS,),
        in_specs=[
            pl.BlockSpec((ROWS, HID), lambda i: (i, 0)),
            pl.BlockSpec((ROWS, 1), lambda i: (i, 0)),
            pl.BlockSpec((ROWS, 1), lambda i: (i, 0)),
        ],
        out_specs=pl.BlockSpec((ROWS, 128), lambda i: (i, 0)),
        out_shape=jax.ShapeDtypeStruct((N0, 128), jnp.float32),
    )(y, p0, p1)



M_CE = 96
M_EPT = E0 // NS
M_FULL = M_EPT // M_CE
M_TAIL = M_EPT - M_FULL * M_CE
MSTRIPE = 3128
MSTRIPE_LAST = N0 - (NS - 1) * MSTRIPE


ZB = 16
ZROWS_PER_TILE = 3125
ZCHUNKS = -(-ZROWS_PER_TILE // M_CE)
ZTAIL = ZROWS_PER_TILE - (ZCHUNKS - 1) * M_CE


def _main_body(row_hbm, col_hbm, ew_hbm, ys2_hbm, out_hbm, A, rows, rows32,
               ridx, cidx, ridx_t, cidx_t, ew_v, zb, sem, sem2):
    c = lax.axis_index("c")
    s = lax.axis_index("s")
    base = s * M_EPT
    r0 = s * MSTRIPE

    zeros16 = jnp.zeros((LANES,), jnp.float32)
    lane_iota = lax.iota(jnp.int32, LANES)

    def zr(i, carry):
        rows32[i, pl.ds(0, LANES)] = zeros16
        rows32[i, pl.ds(LANES, LANES)] = zeros16
        return carry

    lax.fori_loop(0, M_CE, zr, 0)

    zrow0 = s * ZROWS_PER_TILE

    def zchunk(k, carry):
        b0 = zrow0 + k * M_CE

        def zidx(g, carry2):
            v = lane_iota + (b0 + g * LANES)
            cidx[pl.ds(g * LANES, LANES)] = jnp.minimum(v, N0 - 1)
            return carry2

        lax.fori_loop(0, M_CE // LANES, zidx, 0)
        pltpu.sync_copy(rows32, A.at[cidx])
        return carry

    lax.fori_loop(0, ZCHUNKS, zchunk, 0)
    plsc.subcore_barrier()

    def scale(n, off):
        def grp(g, carry):
            ewv = ew_v[pl.ds(g * LANES, LANES)]
            e0 = g * LANES
            for j in range(LANES):
                w = ewv[j]
                rows32[e0 + j, pl.ds(0, LANES)] = (
                    rows[e0 + j, pl.ds(off, LANES)] * w)
                rows32[e0 + j, pl.ds(LANES, LANES)] = (
                    rows[e0 + j, pl.ds(off + LANES, LANES)] * w)
            return carry

        lax.fori_loop(0, n // LANES, grp, 0)

    def do_chunk(off_e, n, ridx_b, cidx_b):
        pltpu.sync_copy(row_hbm.at[pl.ds(off_e, n)], ridx_b)
        pltpu.sync_copy(col_hbm.at[pl.ds(off_e, n)], cidx_b)
        pltpu.sync_copy(ew_hbm.at[pl.ds(off_e, n)], ew_v.at[pl.ds(0, n)])
        pltpu.async_copy(ys2_hbm.at[ridx_b], rows.at[pl.ds(0, n)], sem).wait()
        for cc in range(NC):
            pl.when(c == cc)(functools.partial(scale, n, cc * HALF))
        pltpu.async_copy(rows32.at[pl.ds(0, n)], A.at[cidx_b], sem2,
                         add=True).wait()
        pltpu.async_copy(A.at[cidx_b], rows32.at[pl.ds(0, n)], sem2).wait()

    def chunk(t, carry):
        do_chunk(base + t * M_CE, M_CE, ridx, cidx)
        return carry

    lax.fori_loop(0, M_FULL, chunk, 0)
    if M_TAIL:
        do_chunk(base + M_FULL * M_CE, M_TAIL, ridx_t, cidx_t)

    plsc.subcore_barrier()
    def cpchunk(b0, nrows):
        def zidx(g, carry2):
            v = lane_iota + (b0 + g * LANES)
            cidx[pl.ds(g * LANES, LANES)] = jnp.minimum(v, N0 - 1)
            return carry2

        lax.fori_loop(0, M_CE // LANES, zidx, 0)
        pltpu.async_copy(A.at[cidx], rows32, sem).wait()
        pltpu.sync_copy(rows32.at[pl.ds(0, nrows)],
                        out_hbm.at[pl.ds(c * N0 + b0, nrows)])

    def cpall(total):
        def inner():
            def cfull(k, carry):
                cpchunk(r0 + k * M_CE, M_CE)
                return carry

            lax.fori_loop(0, total // M_CE, cfull, 0)
            rem = total % M_CE
            if rem:
                cpchunk(r0 + (total // M_CE) * M_CE, rem)
        return inner

    pl.when(s < NS - 1)(cpall(MSTRIPE))
    pl.when(s == NS - 1)(cpall(MSTRIPE_LAST))


def _sc_main(row, col, ew, ys2):
    mesh = plsc.VectorSubcoreMesh(core_axis_name="c", subcore_axis_name="s")
    f = pl.kernel(
        _main_body,
        out_type=jax.ShapeDtypeStruct((NC * N0, HALF), jnp.float32),
        mesh=mesh,
        scratch_types=[
            pltpu.VMEM_SHARED((N0, HALF), jnp.float32),
            pltpu.VMEM((M_CE, 128), jnp.float32),
            pltpu.VMEM((M_CE, HALF), jnp.float32),
            pltpu.VMEM((M_CE,), jnp.int32),
            pltpu.VMEM((M_CE,), jnp.int32),
            pltpu.VMEM((max(M_TAIL, LANES),), jnp.int32),
            pltpu.VMEM((max(M_TAIL, LANES),), jnp.int32),
            pltpu.VMEM((M_CE,), jnp.float32),
            pltpu.VMEM((ZB, HALF), jnp.float32),
            pltpu.SemaphoreType.DMA,
            pltpu.SemaphoreType.DMA,
        ],
    )
    return f(row, col, ew, ys2)




def _back_body(y_ref, p0_ref, p1_ref, alo_ref, ahi_ref, bg_ref, wd1_ref,
               bd1_ref, wd2_ref, bd2_ref, out_ref):
    deg = 1.0 + p0_ref[...] + p1_ref[...]
    dinv = lax.rsqrt(deg)
    a = jnp.concatenate([alo_ref[0], ahi_ref[0]], axis=-1)
    agg = dinv * (dinv * y_ref[...] + a)
    h = jnp.tanh(agg + bg_ref[...])
    h = jnp.maximum(h @ wd1_ref[...] + bd1_ref[...], 0.0)
    out_ref[...] = jnp.maximum(h @ wd2_ref[...] + bd2_ref[...], 0.0)


def _dense_back(y, p0, p1, A, b_g0, W_dec1, b_dec1, W_dec2, b_dec2):
    full = lambda shape: pl.BlockSpec(shape, lambda i: (0, 0))
    return pl.pallas_call(
        _back_body,
        grid=(N0 // ROWS,),
        in_specs=[
            pl.BlockSpec((ROWS, HID), lambda i: (i, 0)),
            pl.BlockSpec((ROWS, 1), lambda i: (i, 0)),
            pl.BlockSpec((ROWS, 1), lambda i: (i, 0)),
            pl.BlockSpec((1, ROWS, HALF), lambda i: (0, i, 0)),
            pl.BlockSpec((1, ROWS, HALF), lambda i: (1, i, 0)),
            full((1, HID)),
            full((HID, HID)),
            full((1, HID)),
            full((HID, OUT)),
            full((1, OUT)),
        ],
        out_specs=pl.BlockSpec((ROWS, OUT), lambda i: (i, 0)),
        out_shape=jax.ShapeDtypeStruct((N0, OUT), jnp.float32),
    )(y, p0, p1, A, A, b_g0.reshape(1, HID), W_dec1, b_dec1.reshape(1, HID),
      W_dec2, b_dec2.reshape(1, OUT))


def kernel(static_features, dynamic_features, edge_index0, edge_index1,
           edge_attr0, edge_attr1, node_ptr, W_enc1, b_enc1, W_enc2, b_enc2,
           W_g0, b_g0, W_g1, b_g1, W_dec1, b_dec1, W_dec2, b_dec2):
    x0 = jnp.concatenate(
        [static_features[:N0], dynamic_features[:N0]], axis=-1)
    y = _dense_front(x0, W_enc1, b_enc1, W_enc2, b_enc2, W_g0)

    row = edge_index0[0].astype(jnp.int32)
    col = edge_index0[1].astype(jnp.int32)
    ew = edge_attr0

    degp = _sc_deg(col, ew)
    p0 = degp[:N0].reshape(N0, 1)
    p1 = degp[N0:].reshape(N0, 1)
    dinv = (1.0 + degp[:N0] + degp[N0:]) ** -0.5
    ys = dinv[:, None] * y
    Aj = jnp.zeros((N0, HID), jnp.float32).at[col].add(ew[:, None] * ys[row])
    A = jnp.stack([Aj[:, :HALF], Aj[:, HALF:]])
    return _dense_back(y, p0, p1, A, b_g0, W_dec1, b_dec1, W_dec2, b_dec2)

# --- scband reference (transcript-rebuilt; emitter-appended) ---
"""Pipeline reference for scband-msgnn-new-22608707846200 (READ-ONLY COPY).

The authoritative reference and input builder live on the scoring server;
editing this copy changes nothing except your own understanding.
"""

import jax, jax.numpy as jnp
import numpy as np

N0 = 50000
N1 = 12500
E0 = 800000
E1 = 200000
D_STATIC = 32
D_DYNAMIC = 32
HID = 64
OUT = 2


def gcn_conv(x, edge_index, edge_weight, W, b, num_nodes):
    # Faithful GCNConv: add self-loops (weight 1), symmetric normalization, linear transform, scatter-add aggregation
    x = x @ W
    row = edge_index[0]
    col = edge_index[1]
    loop = jnp.arange(num_nodes)
    row = jnp.concatenate([row, loop])
    col = jnp.concatenate([col, loop])
    ew = jnp.concatenate([edge_weight, jnp.ones((num_nodes,), dtype=x.dtype)])
    deg = jnp.zeros((num_nodes,), dtype=x.dtype).at[col].add(ew)
    dinv = jnp.where(deg > 0, deg ** -0.5, 0.0)
    norm = dinv[row] * ew * dinv[col]
    out = jnp.zeros_like(x).at[col].add(norm[:, None] * x[row])
    return out + b


def mlp2(x, W1, b1, W2, b2):
    # MLP with mlp_layers=2, activation after every linear (incl. last), activation='relu'
    x = jax.nn.relu(x @ W1 + b1)
    x = jax.nn.relu(x @ W2 + b2)
    return x


def _uniform(k, shape, fan_in):
    s = 1.0 / np.sqrt(fan_in)
    return jax.random.uniform(k, shape, minval=-s, maxval=s, dtype=jnp.float32)


def setup_inputs(seed: int = 0) -> dict:
    key = jax.random.key(seed)
    ks = jax.random.split(key, 24)
    inp = {}
    inp['static_features'] = jax.random.normal(ks[0], (N0 + N1, D_STATIC), dtype=jnp.float32)
    inp['dynamic_features'] = jax.random.normal(ks[1], (N0 + N1, D_DYNAMIC), dtype=jnp.float32)
    inp['edge_index0'] = jax.random.randint(ks[2], (2, E0), 0, N0)
    inp['edge_index1'] = jax.random.randint(ks[3], (2, E1), 0, N1)
    inp['edge_attr0'] = jax.random.uniform(ks[4], (E0,), dtype=jnp.float32)
    inp['edge_attr1'] = jax.random.uniform(ks[5], (E1,), dtype=jnp.float32)
    inp['node_ptr'] = jnp.array([0, N0, N0 + N1], dtype=jnp.int32)
    d_in = D_STATIC + D_DYNAMIC
    inp['W_enc1'] = _uniform(ks[6], (d_in, HID), d_in)
    inp['b_enc1'] = _uniform(ks[7], (HID,), d_in)
    inp['W_enc2'] = _uniform(ks[8], (HID, HID), HID)
    inp['b_enc2'] = _uniform(ks[9], (HID,), HID)
    inp['W_g0'] = _uniform(ks[10], (HID, HID), HID)
    inp['b_g0'] = _uniform(ks[11], (HID,), HID)
    inp['W_g1'] = _uniform(ks[12], (HID, HID), HID)
    inp['b_g1'] = _uniform(ks[13], (HID,), HID)
    inp['W_dec1'] = _uniform(ks[14], (HID, HID), HID)
    inp['b_dec1'] = _uniform(ks[15], (HID,), HID)
    inp['W_dec2'] = _uniform(ks[16], (HID, OUT), HID)
    inp['b_dec2'] = _uniform(ks[17], (OUT,), HID)
    return inp


def reference(static_features, dynamic_features, edge_index0, edge_index1, edge_attr0, edge_attr1, node_ptr,
              W_enc1, b_enc1, W_enc2, b_enc2, W_g0, b_g0, W_g1, b_g1, W_dec1, b_dec1, W_dec2, b_dec2):
    # forward: concat -> encoder MLP -> per-scale GNN layer (tanh activation) -> pool (no skip) -> decoder MLP
    x = jnp.concatenate([static_features, dynamic_features], axis=-1)
    x = mlp2(x, W_enc1, b_enc1, W_enc2, b_enc2)
    x0 = jax.lax.dynamic_slice_in_dim(x, node_ptr[0], N0, axis=0)
    x1 = jax.lax.dynamic_slice_in_dim(x, node_ptr[1], N1, axis=0)
    h0 = jnp.tanh(gcn_conv(x0, edge_index0, edge_attr0, W_g0, b_g0, N0))
    h1 = jnp.tanh(gcn_conv(x1, edge_index1, edge_attr1, W_g1, b_g1, N1))
    # _pool with skip_connections=False returns the finest scale only
    finest = h0
    out = mlp2(finest, W_dec1, b_dec1, W_dec2, b_dec2)
    return out

if __name__ == "__main__":
    import jax
    _d = setup_inputs()
    print(jax.jit(kernel)(*tuple(_d.values())))

</pallas_src>

<mosaic_0001>
#map = affine_map<(d0, d1) -> (0)>
module attributes {stable_mosaic.version = 14 : i64} {
  func.func @_deg_body(%arg0: i32, %arg1: i32, %arg2: memref<800000xi32, #tpu.memory_space<hbm>>, %arg3: memref<800000xf32, #tpu.memory_space<hbm>>, %arg4: memref<100000xf32, #tpu.memory_space<hbm>>, %arg5: memref<50000xf32, #tpu.memory_space<vmem_shared>>, %arg6: memref<1000xi32, #tpu.memory_space<vmem>>, %arg7: memref<1000xf32, #tpu.memory_space<vmem>>, %arg8: memref<3200xf32, #tpu.memory_space<vmem>>) attributes {dimension_semantics = [#tpu.dimension_semantics<core_parallel>, #tpu.dimension_semantics<subcore_parallel>], iteration_bounds = array<i64: 2, 16>, scalar_prefetch = 0 : i64, scratch_operands = 4 : i64, tpu.core_type = #tpu.core_type<sc_vector_subcore>, window_params = [{transform_indices = #map}, {transform_indices = #map}, {transform_indices = #map}]} {
    %mul3A = arith.constant 16 : i32
    %mul3A_0 = arith.muli %arg0, %mul3A : i32
    %add3A = arith.addi %mul3A_0, %arg1 : i32
    %mul3A_1 = arith.constant 25000 : i32
    %mul3A_2 = arith.muli %add3A, %mul3A_1 : i32
    %mul3A_3 = arith.constant 3200 : i32
    %mul3A_4 = arith.muli %arg1, %mul3A_3 : i32
    %broadcast_in_dim3A = arith.constant 0.000000e+00 : f32
    %broadcast_in_dim3A_5 = vector.broadcast %broadcast_in_dim3A : f32 to vector<16xf32>
    %scan3A = arith.constant 0 : i32
    %scan3A_6 = arith.constant 0 : i32
    %scan3A_7 = arith.constant 200 : i32
    %scan3A_8 = arith.addi %scan3A_6, %scan3A_7 : i32
    %scan3A_9 = arith.constant 1 : i32
    scf.for %scan3A_34 = %scan3A_6 to %scan3A_8 step %scan3A_9  : i32 {
      %mul3A_35 = arith.constant 16 : i32
      %mul3A_36 = arith.muli %scan3A_34, %mul3A_35 : i32
      %swap3A = arith.index_cast %mul3A_36 : i32 to index
      %swap3A_37 = tpu.vector_load %arg8[%swap3A] {strides = array<i32>} : memref<3200xf32, #tpu.memory_space<vmem>>, vector<16xf32>,
      %swap3A_38 = vector.shape_cast %swap3A_37 : vector<16xf32> to vector<16xf32>
      %swap3A_39 = vector.shape_cast %broadcast_in_dim3A_5 : vector<16xf32> to vector<16xf32>
      tpu.vector_store %arg8[%swap3A], %swap3A_39 {strides = array<i32>} : memref<3200xf32, #tpu.memory_space<vmem>>, vector<16xf32>,
    }
    %scan3A_10 = arith.constant 200 : i32
    %lt3A = arith.constant 15 : i32
    %lt3A_11 = arith.cmpi slt, %arg1, %lt3A : i32
    %convert_element_type3A = arith.extui %lt3A_11 : i1 to i32
    %cond3A = arith.constant 0 : i32
    %cond3A_12 = arith.cmpi ne, %convert_element_type3A, %cond3A : i32
    scf.if %cond3A_12 {
      "tpu.region"() ({
        %run_scoped3A = tpu.sem_alloc : memref<!tpu.dma_semaphore, #tpu.memory_space<semaphore_mem>>
        %dma_start3A = arith.constant 0 : i32
        %dma_start3A_34 = tpu.memref_slice %arg8[%dma_start3A] : memref<3200xf32, #tpu.memory_space<vmem>> -> memref<3200xf32, #tpu.memory_space<vmem>>
        %dma_start3A_35 = tpu.memref_slice %arg5[%mul3A_4] : memref<50000xf32, #tpu.memory_space<vmem_shared>> -> memref<3200xf32, #tpu.memory_space<vmem_shared>>
        %dma_start3A_36 = tpu.memref_slice %arg5[%mul3A_4] : memref<50000xf32, #tpu.memory_space<vmem_shared>> -> memref<3200xf32, #tpu.memory_space<vmem_shared>>
        %dma_start3A_37 = arith.constant 0 : i32
        %dma_start3A_38 = tpu.memref_slice %arg8[%dma_start3A_37] : memref<3200xf32, #tpu.memory_space<vmem>> -> memref<3200xf32, #tpu.memory_space<vmem>>
        tpu.enqueue_dma source(%dma_start3A_38 : memref<3200xf32, #tpu.memory_space<vmem>>) target(%dma_start3A_36 : memref<3200xf32, #tpu.memory_space<vmem_shared>>) target_semaphore(%run_scoped3A : memref<!tpu.dma_semaphore, #tpu.memory_space<semaphore_mem>>)
        %dma_wait3A = arith.constant 0 : i32
        %dma_wait3A_39 = tpu.memref_slice %arg8[%dma_wait3A] : memref<3200xf32, #tpu.memory_space<vmem>> -> memref<3200xf32, #tpu.memory_space<vmem>>
        %dma_wait3A_40 = tpu.memref_slice %arg5[%mul3A_4] : memref<50000xf32, #tpu.memory_space<vmem_shared>> -> memref<3200xf32, #tpu.memory_space<vmem_shared>>
        %dma_wait3A_41 = tpu.memref_slice %arg5[%mul3A_4] : memref<50000xf32, #tpu.memory_space<vmem_shared>> -> memref<3200xf32, #tpu.memory_space<vmem_shared>>
        %dma_wait3A_42 = arith.constant 0 : i32
        %dma_wait3A_43 = tpu.memref_slice %arg8[%dma_wait3A_42] : memref<3200xf32, #tpu.memory_space<vmem>> -> memref<3200xf32, #tpu.memory_space<vmem>>
        tpu.wait_dma2 semaphore(%run_scoped3A : memref<!tpu.dma_semaphore, #tpu.memory_space<semaphore_mem>>) src(%dma_wait3A_43 : memref<3200xf32, #tpu.memory_space<vmem>>) dst(%dma_wait3A_41 : memref<3200xf32, #tpu.memory_space<vmem_shared>>)
        tpu.yield
      }) : () -> ()
    } else {
    }
    %eq3A = arith.constant 15 : i32
    %eq3A_13 = arith.cmpi eq, %arg1, %eq3A : i32
    %convert_element_type3A_14 = arith.extui %eq3A_13 : i1 to i32
    %cond3A_15 = arith.constant 0 : i32
    %cond3A_16 = arith.cmpi ne, %convert_element_type3A_14, %cond3A_15 : i32
    scf.if %cond3A_16 {
      "tpu.region"() ({
        %run_scoped3A = tpu.sem_alloc : memref<!tpu.dma_semaphore, #tpu.memory_space<semaphore_mem>>
        %dma_start3A = arith.constant 0 : i32
        %dma_start3A_34 = tpu.memref_slice %arg8[%dma_start3A] : memref<3200xf32, #tpu.memory_space<vmem>> -> memref<2000xf32, #tpu.memory_space<vmem>>
        %dma_start3A_35 = tpu.memref_slice %arg5[%mul3A_4] : memref<50000xf32, #tpu.memory_space<vmem_shared>> -> memref<2000xf32, #tpu.memory_space<vmem_shared>>
        %dma_start3A_36 = tpu.memref_slice %arg5[%mul3A_4] : memref<50000xf32, #tpu.memory_space<vmem_shared>> -> memref<2000xf32, #tpu.memory_space<vmem_shared>>
        %dma_start3A_37 = arith.constant 0 : i32
        %dma_start3A_38 = tpu.memref_slice %arg8[%dma_start3A_37] : memref<3200xf32, #tpu.memory_space<vmem>> -> memref<2000xf32, #tpu.memory_space<vmem>>
        tpu.enqueue_dma source(%dma_start3A_38 : memref<2000xf32, #tpu.memory_space<vmem>>) target(%dma_start3A_36 : memref<2000xf32, #tpu.memory_space<vmem_shared>>) target_semaphore(%run_scoped3A : memref<!tpu.dma_semaphore, #tpu.memory_space<semaphore_mem>>)
        %dma_wait3A = arith.constant 0 : i32
        %dma_wait3A_39 = tpu.memref_slice %arg8[%dma_wait3A] : memref<3200xf32, #tpu.memory_space<vmem>> -> memref<2000xf32, #tpu.memory_space<vmem>>
        %dma_wait3A_40 = tpu.memref_slice %arg5[%mul3A_4] : memref<50000xf32, #tpu.memory_space<vmem_shared>> -> memref<2000xf32, #tpu.memory_space<vmem_shared>>
        %dma_wait3A_41 = tpu.memref_slice %arg5[%mul3A_4] : memref<50000xf32, #tpu.memory_space<vmem_shared>> -> memref<2000xf32, #tpu.memory_space<vmem_shared>>
        %dma_wait3A_42 = arith.constant 0 : i32
        %dma_wait3A_43 = tpu.memref_slice %arg8[%dma_wait3A_42] : memref<3200xf32, #tpu.memory_space<vmem>> -> memref<2000xf32, #tpu.memory_space<vmem>>
        tpu.wait_dma2 semaphore(%run_scoped3A : memref<!tpu.dma_semaphore, #tpu.memory_space<semaphore_mem>>) src(%dma_wait3A_43 : memref<2000xf32, #tpu.memory_space<vmem>>) dst(%dma_wait3A_41 : memref<2000xf32, #tpu.memory_space<vmem_shared>>)
        tpu.yield
      }) : () -> ()
    } else {
    }
    %barrier3A = arith.constant 0 : index
    tpu.barrier barrier_id(%barrier3A)
    %scan3A_17 = arith.constant 0 : i32
    %scan3A_18 = arith.constant 0 : i32
    %scan3A_19 = arith.constant 25 : i32
    %scan3A_20 = arith.addi %scan3A_18, %scan3A_19 : i32
    %scan3A_21 = arith.constant 1 : i32
    scf.for %scan3A_34 = %scan3A_18 to %scan3A_20 step %scan3A_21  : i32 {
      %mul3A_35 = arith.constant 1000 : i32
      %mul3A_36 = arith.muli %scan3A_34, %mul3A_35 : i32
      %add3A_37 = arith.addi %mul3A_2, %mul3A_36 : i32
      "tpu.region"() ({
        %run_scoped3A = tpu.sem_alloc : memref<!tpu.dma_semaphore, #tpu.memory_space<semaphore_mem>>
        %dma_start3A = tpu.memref_slice %arg2[%add3A_37] : memref<800000xi32, #tpu.memory_space<hbm>> -> memref<1000xi32, #tpu.memory_space<hbm>>
        %dma_start3A_38 = tpu.memref_slice %arg2[%add3A_37] : memref<800000xi32, #tpu.memory_space<hbm>> -> memref<1000xi32, #tpu.memory_space<hbm>>
        tpu.enqueue_dma source(%dma_start3A_38 : memref<1000xi32, #tpu.memory_space<hbm>>) target(%arg6 : memref<1000xi32, #tpu.memory_space<vmem>>) target_semaphore(%run_scoped3A : memref<!tpu.dma_semaphore, #tpu.memory_space<semaphore_mem>>)
        %dma_wait3A = tpu.memref_slice %arg2[%add3A_37] : memref<800000xi32, #tpu.memory_space<hbm>> -> memref<1000xi32, #tpu.memory_space<hbm>>
        %dma_wait3A_39 = tpu.memref_slice %arg2[%add3A_37] : memref<800000xi32, #tpu.memory_space<hbm>> -> memref<1000xi32, #tpu.memory_space<hbm>>
        tpu.wait_dma2 semaphore(%run_scoped3A : memref<!tpu.dma_semaphore, #tpu.memory_space<semaphore_mem>>) src(%dma_wait3A_39 : memref<1000xi32, #tpu.memory_space<hbm>>) dst(%arg6 : memref<1000xi32, #tpu.memory_space<vmem>>)
        tpu.yield
      }) : () -> ()
      "tpu.region"() ({
        %run_scoped3A = tpu.sem_alloc : memref<!tpu.dma_semaphore, #tpu.memory_space<semaphore_mem>>
        %dma_start3A = tpu.memref_slice %arg3[%add3A_37] : memref<800000xf32, #tpu.memory_space<hbm>> -> memref<1000xf32, #tpu.memory_space<hbm>>
        %dma_start3A_38 = tpu.memref_slice %arg3[%add3A_37] : memref<800000xf32, #tpu.memory_space<hbm>> -> memref<1000xf32, #tpu.memory_space<hbm>>
        tpu.enqueue_dma source(%dma_start3A_38 : memref<1000xf32, #tpu.memory_space<hbm>>) target(%arg7 : memref<1000xf32, #tpu.memory_space<vmem>>) target_semaphore(%run_scoped3A : memref<!tpu.dma_semaphore, #tpu.memory_space<semaphore_mem>>)
        %dma_wait3A = tpu.memref_slice %arg3[%add3A_37] : memref<800000xf32, #tpu.memory_space<hbm>> -> memref<1000xf32, #tpu.memory_space<hbm>>
        %dma_wait3A_39 = tpu.memref_slice %arg3[%add3A_37] : memref<800000xf32, #tpu.memory_space<hbm>> -> memref<1000xf32, #tpu.memory_space<hbm>>
        tpu.wait_dma2 semaphore(%run_scoped3A : memref<!tpu.dma_semaphore, #tpu.memory_space<semaphore_mem>>) src(%dma_wait3A_39 : memref<1000xf32, #tpu.memory_space<hbm>>) dst(%arg7 : memref<1000xf32, #tpu.memory_space<vmem>>)
        tpu.yield
      }) : () -> ()
      "tpu.region"() ({
        %run_scoped3A = tpu.sem_alloc : memref<!tpu.dma_semaphore, #tpu.memory_space<semaphore_mem>>
        %dma_start3A = arith.constant 0 : i32
        %dma_start3A_38 = tpu.memref_slice %arg5[%dma_start3A] : memref<50000xf32, #tpu.memory_space<vmem_shared>> -> memref<50000xf32, #tpu.memory_space<vmem_shared>>
        tpu.enqueue_indirect_dma source(%arg7 : memref<1000xf32, #tpu.memory_space<vmem>>) target(%dma_start3A_38 : memref<50000xf32, #tpu.memory_space<vmem_shared>>) offsets(%arg6 : memref<1000xi32, #tpu.memory_space<vmem>>) semaphore(%run_scoped3A : memref<!tpu.dma_semaphore, #tpu.memory_space<semaphore_mem>>) {add = true}
        %dma_wait3A = arith.constant 0 : i32
        %dma_wait3A_39 = tpu.memref_slice %arg5[%dma_wait3A] : memref<50000xf32, #tpu.memory_space<vmem_shared>> -> memref<50000xf32, #tpu.memory_space<vmem_shared>>
        tpu.wait_indirect_dma semaphore(%run_scoped3A : memref<!tpu.dma_semaphore, #tpu.memory_space<semaphore_mem>>) src(%arg7 : memref<1000xf32, #tpu.memory_space<vmem>>) dst(%dma_wait3A_39 : memref<50000xf32, #tpu.memory_space<vmem_shared>>)
        tpu.yield
      }) : () -> ()
    }
    %scan3A_22 = arith.constant 25 : i32
    %barrier3A_23 = arith.constant 0 : index
    tpu.barrier barrier_id(%barrier3A_23)
    %lt3A_24 = arith.constant 15 : i32
    %lt3A_25 = arith.cmpi slt, %arg1, %lt3A_24 : i32
    %convert_element_type3A_26 = arith.extui %lt3A_25 : i1 to i32
    %cond3A_27 = arith.constant 0 : i32
    %cond3A_28 = arith.cmpi ne, %convert_element_type3A_26, %cond3A_27 : i32
    scf.if %cond3A_28 {
      "tpu.region"() ({
        %run_scoped3A = tpu.sem_alloc : memref<!tpu.dma_semaphore, #tpu.memory_space<semaphore_mem>>
        %dma_start3A = arith.constant 0 : i32
        %dma_start3A_37 = tpu.memref_slice %arg8[%dma_start3A] : memref<3200xf32, #tpu.memory_space<vmem>> -> memref<3200xf32, #tpu.memory_space<vmem>>
        %dma_start3A_38 = tpu.memref_slice %arg5[%mul3A_4] : memref<50000xf32, #tpu.memory_space<vmem_shared>> -> memref<3200xf32, #tpu.memory_space<vmem_shared>>
        %dma_start3A_39 = arith.constant 0 : i32
        %dma_start3A_40 = tpu.memref_slice %arg8[%dma_start3A_39] : memref<3200xf32, #tpu.memory_space<vmem>> -> memref<3200xf32, #tpu.memory_space<vmem>>
        %dma_start3A_41 = tpu.memref_slice %arg5[%mul3A_4] : memref<50000xf32, #tpu.memory_space<vmem_shared>> -> memref<3200xf32, #tpu.memory_space<vmem_shared>>
        tpu.enqueue_dma source(%dma_start3A_41 : memref<3200xf32, #tpu.memory_space<vmem_shared>>) target(%dma_start3A_40 : memref<3200xf32, #tpu.memory_space<vmem>>) target_semaphore(%run_scoped3A : memref<!tpu.dma_semaphore, #tpu.memory_space<semaphore_mem>>)
        %dma_wait3A = arith.constant 0 : i32
        %dma_wait3A_42 = tpu.memref_slice %arg8[%dma_wait3A] : memref<3200xf32, #tpu.memory_space<vmem>> -> memref<3200xf32, #tpu.memory_space<vmem>>
        %dma_wait3A_43 = tpu.memref_slice %arg5[%mul3A_4] : memref<50000xf32, #tpu.memory_space<vmem_shared>> -> memref<3200xf32, #tpu.memory_space<vmem_shared>>
        %dma_wait3A_44 = arith.constant 0 : i32
        %dma_wait3A_45 = tpu.memref_slice %arg8[%dma_wait3A_44] : memref<3200xf32, #tpu.memory_space<vmem>> -> memref<3200xf32, #tpu.memory_space<vmem>>
        %dma_wait3A_46 = tpu.memref_slice %arg5[%mul3A_4] : memref<50000xf32, #tpu.memory_space<vmem_shared>> -> memref<3200xf32, #tpu.memory_space<vmem_shared>>
        tpu.wait_dma2 semaphore(%run_scoped3A : memref<!tpu.dma_semaphore, #tpu.memory_space<semaphore_mem>>) src(%dma_wait3A_46 : memref<3200xf32, #tpu.memory_space<vmem_shared>>) dst(%dma_wait3A_45 : memref<3200xf32, #tpu.memory_space<vmem>>)
        tpu.yield
      }) : () -> ()
      %mul3A_34 = arith.constant 50000 : i32
      %mul3A_35 = arith.muli %arg0, %mul3A_34 : i32
      %add3A_36 = arith.addi %mul3A_35, %mul3A_4 : i32
      "tpu.region"() ({
        %run_scoped3A = tpu.sem_alloc : memref<!tpu.dma_semaphore, #tpu.memory_space<semaphore_mem>>
        %dma_start3A = arith.constant 0 : i32
        %dma_start3A_37 = tpu.memref_slice %arg8[%dma_start3A] : memref<3200xf32, #tpu.memory_space<vmem>> -> memref<3200xf32, #tpu.memory_space<vmem>>
        %dma_start3A_38 = tpu.memref_slice %arg4[%add3A_36] : memref<100000xf32, #tpu.memory_space<hbm>> -> memref<3200xf32, #tpu.memory_space<hbm>>
        %dma_start3A_39 = tpu.memref_slice %arg4[%add3A_36] : memref<100000xf32, #tpu.memory_space<hbm>> -> memref<3200xf32, #tpu.memory_space<hbm>>
        %dma_start3A_40 = arith.constant 0 : i32
        %dma_start3A_41 = tpu.memref_slice %arg8[%dma_start3A_40] : memref<3200xf32, #tpu.memory_space<vmem>> -> memref<3200xf32, #tpu.memory_space<vmem>>
        tpu.enqueue_dma source(%dma_start3A_41 : memref<3200xf32, #tpu.memory_space<vmem>>) target(%dma_start3A_39 : memref<3200xf32, #tpu.memory_space<hbm>>) target_semaphore(%run_scoped3A : memref<!tpu.dma_semaphore, #tpu.memory_space<semaphore_mem>>)
        %dma_wait3A = arith.constant 0 : i32
        %dma_wait3A_42 = tpu.memref_slice %arg8[%dma_wait3A] : memref<3200xf32, #tpu.memory_space<vmem>> -> memref<3200xf32, #tpu.memory_space<vmem>>
        %dma_wait3A_43 = tpu.memref_slice %arg4[%add3A_36] : memref<100000xf32, #tpu.memory_space<hbm>> -> memref<3200xf32, #tpu.memory_space<hbm>>
        %dma_wait3A_44 = tpu.memref_slice %arg4[%add3A_36] : memref<100000xf32, #tpu.memory_space<hbm>> -> memref<3200xf32, #tpu.memory_space<hbm>>
        %dma_wait3A_45 = arith.constant 0 : i32
        %dma_wait3A_46 = tpu.memref_slice %arg8[%dma_wait3A_45] : memref<3200xf32, #tpu.memory_space<vmem>> -> memref<3200xf32, #tpu.memory_space<vmem>>
        tpu.wait_dma2 semaphore(%run_scoped3A : memref<!tpu.dma_semaphore, #tpu.memory_space<semaphore_mem>>) src(%dma_wait3A_46 : memref<3200xf32, #tpu.memory_space<vmem>>) dst(%dma_wait3A_44 : memref<3200xf32, #tpu.memory_space<hbm>>)
        tpu.yield
      }) : () -> ()
    } else {
    }
    %eq3A_29 = arith.constant 15 : i32
    %eq3A_30 = arith.cmpi eq, %arg1, %eq3A_29 : i32
    %convert_element_type3A_31 = arith.extui %eq3A_30 : i1 to i32
    %cond3A_32 = arith.constant 0 : i32
    %cond3A_33 = arith.cmpi ne, %convert_element_type3A_31, %cond3A_32 : i32
    scf.if %cond3A_33 {
      "tpu.region"() ({
        %run_scoped3A = tpu.sem_alloc : memref<!tpu.dma_semaphore, #tpu.memory_space<semaphore_mem>>
        %dma_start3A = arith.constant 0 : i32
        %dma_start3A_37 = tpu.memref_slice %arg8[%dma_start3A] : memref<3200xf32, #tpu.memory_space<vmem>> -> memref<2000xf32, #tpu.memory_space<vmem>>
        %dma_start3A_38 = tpu.memref_slice %arg5[%mul3A_4] : memref<50000xf32, #tpu.memory_space<vmem_shared>> -> memref<2000xf32, #tpu.memory_space<vmem_shared>>
        %dma_start3A_39 = arith.constant 0 : i32
        %dma_start3A_40 = tpu.memref_slice %arg8[%dma_start3A_39] : memref<3200xf32, #tpu.memory_space<vmem>> -> memref<2000xf32, #tpu.memory_space<vmem>>
        %dma_start3A_41 = tpu.memref_slice %arg5[%mul3A_4] : memref<50000xf32, #tpu.memory_space<vmem_shared>> -> memref<2000xf32, #tpu.memory_space<vmem_shared>>
        tpu.enqueue_dma source(%dma_start3A_41 : memref<2000xf32, #tpu.memory_space<vmem_shared>>) target(%dma_start3A_40 : memref<2000xf32, #tpu.memory_space<vmem>>) target_semaphore(%run_scoped3A : memref<!tpu.dma_semaphore, #tpu.memory_space<semaphore_mem>>)
        %dma_wait3A = arith.constant 0 : i32
        %dma_wait3A_42 = tpu.memref_slice %arg8[%dma_wait3A] : memref<3200xf32, #tpu.memory_space<vmem>> -> memref<2000xf32, #tpu.memory_space<vmem>>
        %dma_wait3A_43 = tpu.memref_slice %arg5[%mul3A_4] : memref<50000xf32, #tpu.memory_space<vmem_shared>> -> memref<2000xf32, #tpu.memory_space<vmem_shared>>
        %dma_wait3A_44 = arith.constant 0 : i32
        %dma_wait3A_45 = tpu.memref_slice %arg8[%dma_wait3A_44] : memref<3200xf32, #tpu.memory_space<vmem>> -> memref<2000xf32, #tpu.memory_space<vmem>>
        %dma_wait3A_46 = tpu.memref_slice %arg5[%mul3A_4] : memref<50000xf32, #tpu.memory_space<vmem_shared>> -> memref<2000xf32, #tpu.memory_space<vmem_shared>>
        tpu.wait_dma2 semaphore(%run_scoped3A : memref<!tpu.dma_semaphore, #tpu.memory_space<semaphore_mem>>) src(%dma_wait3A_46 : memref<2000xf32, #tpu.memory_space<vmem_shared>>) dst(%dma_wait3A_45 : memref<2000xf32, #tpu.memory_space<vmem>>)
        tpu.yield
      }) : () -> ()
      %mul3A_34 = arith.constant 50000 : i32
      %mul3A_35 = arith.muli %arg0, %mul3A_34 : i32
      %add3A_36 = arith.addi %mul3A_35, %mul3A_4 : i32
      "tpu.region"() ({
        %run_scoped3A = tpu.sem_alloc : memref<!tpu.dma_semaphore, #tpu.memory_space<semaphore_mem>>
        %dma_start3A = arith.constant 0 : i32
        %dma_start3A_37 = tpu.memref_slice %arg8[%dma_start3A] : memref<3200xf32, #tpu.memory_space<vmem>> -> memref<2000xf32, #tpu.memory_space<vmem>>
        %dma_start3A_38 = tpu.memref_slice %arg4[%add3A_36] : memref<100000xf32, #tpu.memory_space<hbm>> -> memref<2000xf32, #tpu.memory_space<hbm>>
        %dma_start3A_39 = tpu.memref_slice %arg4[%add3A_36] : memref<100000xf32, #tpu.memory_space<hbm>> -> memref<2000xf32, #tpu.memory_space<hbm>>
        %dma_start3A_40 = arith.constant 0 : i32
        %dma_start3A_41 = tpu.memref_slice %arg8[%dma_start3A_40] : memref<3200xf32, #tpu.memory_space<vmem>> -> memref<2000xf32, #tpu.memory_space<vmem>>
        tpu.enqueue_dma source(%dma_start3A_41 : memref<2000xf32, #tpu.memory_space<vmem>>) target(%dma_start3A_39 : memref<2000xf32, #tpu.memory_space<hbm>>) target_semaphore(%run_scoped3A : memref<!tpu.dma_semaphore, #tpu.memory_space<semaphore_mem>>)
        %dma_wait3A = arith.constant 0 : i32
        %dma_wait3A_42 = tpu.memref_slice %arg8[%dma_wait3A] : memref<3200xf32, #tpu.memory_space<vmem>> -> memref<2000xf32, #tpu.memory_space<vmem>>
        %dma_wait3A_43 = tpu.memref_slice %arg4[%add3A_36] : memref<100000xf32, #tpu.memory_space<hbm>> -> memref<2000xf32, #tpu.memory_space<hbm>>
        %dma_wait3A_44 = tpu.memref_slice %arg4[%add3A_36] : memref<100000xf32, #tpu.memory_space<hbm>> -> memref<2000xf32, #tpu.memory_space<hbm>>
        %dma_wait3A_45 = arith.constant 0 : i32
        %dma_wait3A_46 = tpu.memref_slice %arg8[%dma_wait3A_45] : memref<3200xf32, #tpu.memory_space<vmem>> -> memref<2000xf32, #tpu.memory_space<vmem>>
        tpu.wait_dma2 semaphore(%run_scoped3A : memref<!tpu.dma_semaphore, #tpu.memory_space<semaphore_mem>>) src(%dma_wait3A_46 : memref<2000xf32, #tpu.memory_space<vmem>>) dst(%dma_wait3A_44 : memref<2000xf32, #tpu.memory_space<hbm>>)
        tpu.yield
      }) : () -> ()
    } else {
    }
    return
  }
}

module attributes {stable_mosaic.version = 14 : i64} {
  func.func @_front_body(%arg0: i32, %arg1: memref<2000x64xf32, #tpu.memory_space<vmem>>, %arg2: memref<64x64xf32, #tpu.memory_space<vmem>>, %arg3: memref<1x64xf32, #tpu.memory_space<vmem>>, %arg4: memref<64x64xf32, #tpu.memory_space<vmem>>, %arg5: memref<1x64xf32, #tpu.memory_space<vmem>>, %arg6: memref<64x64xf32, #tpu.memory_space<vmem>>, %arg7: memref<2000x64xf32, #tpu.memory_space<vmem>>) attributes {dimension_semantics = [#tpu.dimension_semantics<arbitrary>], iteration_bounds = array<i64: 25>, scalar_prefetch = 0 : i64, scratch_operands = 0 : i64, tpu.core_type = #tpu.core_type<tc>, window_params = [{transform_indices = @transform_0, window_bounds = array<i64: 2000, 64>}, {pipeline_mode = #tpu.pipeline_mode<synchronous>, transform_indices = @transform_1, window_bounds = array<i64: 64, 64>}, {pipeline_mode = #tpu.pipeline_mode<synchronous>, transform_indices = @transform_2, window_bounds = array<i64: 1, 64>}, {pipeline_mode = #tpu.pipeline_mode<synchronous>, transform_indices = @transform_3, window_bounds = array<i64: 64, 64>}, {pipeline_mode = #tpu.pipeline_mode<synchronous>, transform_indices = @transform_4, window_bounds = array<i64: 1, 64>}, {pipeline_mode = #tpu.pipeline_mode<synchronous>, transform_indices = @transform_5, window_bounds = array<i64: 64, 64>}, {transform_indices = @transform_6, window_bounds = array<i64: 2000, 64>}]} {
    %get3A = arith.constant 0 : index
    %get3A_0 = arith.constant 0 : index
    %get3A_1 = vector.load %arg1[%get3A, %get3A_0] : memref<2000x64xf32, #tpu.memory_space<vmem>>, vector<2000x64xf32>
    %get3A_2 = arith.constant 0 : index
    %get3A_3 = arith.constant 0 : index
    %get3A_4 = vector.load %arg2[%get3A_2, %get3A_3] : memref<64x64xf32, #tpu.memory_space<vmem>>, vector<64x64xf32>
    %dot_general3A = arith.constant dense<0.000000e+00> : vector<2000x64xf32>
    %dot_general3A_5 = tpu.matmul %get3A_1, %get3A_4, %dot_general3A {dimension_numbers = #tpu.dot_dimension_numbers<[1], [0], [0], [1], [0, 0, 1, 1], [], []>, transpose_lhs_hint = false} : vector<2000x64xf32>, vector<64x64xf32>, vector<2000x64xf32> -> vector<2000x64xf32>
    %get3A_6 = arith.constant 0 : index
    %get3A_7 = arith.constant 0 : index
    %get3A_8 = vector.load %arg3[%get3A_6, %get3A_7] : memref<1x64xf32, #tpu.memory_space<vmem>>, vector<1x64xf32>
    %add3A = vector.broadcast %get3A_8 : vector<1x64xf32> to vector<2000x64xf32>
    %add3A_9 = arith.addf %dot_general3A_5, %add3A : vector<2000x64xf32>
    %max3A = arith.constant 0.000000e+00 : f32
    %max3A_10 = vector.broadcast %max3A : f32 to vector<2000x64xf32>
    %max3A_11 = arith.maximumf %add3A_9, %max3A_10 : vector<2000x64xf32>
    %get3A_12 = arith.constant 0 : index
    %get3A_13 = arith.constant 0 : index
    %get3A_14 = vector.load %arg4[%get3A_12, %get3A_13] : memref<64x64xf32, #tpu.memory_space<vmem>>, vector<64x64xf32>
    %dot_general3A_15 = arith.constant dense<0.000000e+00> : vector<2000x64xf32>
    %dot_general3A_16 = tpu.matmul %max3A_11, %get3A_14, %dot_general3A_15 {dimension_numbers = #tpu.dot_dimension_numbers<[1], [0], [0], [1], [0, 0, 1, 1], [], []>, transpose_lhs_hint = false} : vector<2000x64xf32>, vector<64x64xf32>, vector<2000x64xf32> -> vector<2000x64xf32>
    %get3A_17 = arith.constant 0 : index
    %get3A_18 = arith.constant 0 : index
    %get3A_19 = vector.load %arg5[%get3A_17, %get3A_18] : memref<1x64xf32, #tpu.memory_space<vmem>>, vector<1x64xf32>
    %add3A_20 = vector.broadcast %get3A_19 : vector<1x64xf32> to vector<2000x64xf32>
    %add3A_21 = arith.addf %dot_general3A_16, %add3A_20 : vector<2000x64xf32>
    %max3A_22 = arith.constant 0.000000e+00 : f32
    %max3A_23 = vector.broadcast %max3A_22 : f32 to vector<2000x64xf32>
    %max3A_24 = arith.maximumf %add3A_21, %max3A_23 : vector<2000x64xf32>
    %get3A_25 = arith.constant 0 : index
    %get3A_26 = arith.constant 0 : index
    %get3A_27 = vector.load %arg6[%get3A_25, %get3A_26] : memref<64x64xf32, #tpu.memory_space<vmem>>, vector<64x64xf32>
    %dot_general3A_28 = arith.constant dense<0.000000e+00> : vector<2000x64xf32>
    %dot_general3A_29 = tpu.matmul %max3A_24, %get3A_27, %dot_general3A_28 {dimension_numbers = #tpu.dot_dimension_numbers<[1], [0], [0], [1], [0, 0, 1, 1], [], []>, transpose_lhs_hint = false} : vector<2000x64xf32>, vector<64x64xf32>, vector<2000x64xf32> -> vector<2000x64xf32>
    %swap3A = arith.constant 0 : index
    %swap3A_30 = arith.constant 0 : index
    %swap3A_31 = vector.load %arg7[%swap3A, %swap3A_30] : memref<2000x64xf32, #tpu.memory_space<vmem>>, vector<2000x64xf32>
    tpu.vector_store %arg7[%swap3A, %swap3A_30], %dot_general3A_29 {strides = array<i32>} : memref<2000x64xf32, #tpu.memory_space<vmem>>, vector<2000x64xf32>,
    return
  }
  func.func @transform_0(%arg0: i32) -> (i32, i32) {
    %c0_i32 = arith.constant 0 : i32
    %c0_i32_0 = arith.constant 0 : i32
    return %arg0, %c0_i32 : i32, i32
  }
  func.func @transform_1(%arg0: i32) -> (i32, i32) {
    %c0_i32 = arith.constant 0 : i32
    %c0_i32_0 = arith.constant 0 : i32
    %c0_i32_1 = arith.constant 0 : i32
    return %c0_i32, %c0_i32_0 : i32, i32
  }
  func.func @transform_2(%arg0: i32) -> (i32, i32) {
    %c0_i32 = arith.constant 0 : i32
    %c0_i32_0 = arith.constant 0 : i32
    %c0_i32_1 = arith.constant 0 : i32
    return %c0_i32, %c0_i32_0 : i32, i32
  }
  func.func @transform_3(%arg0: i32) -> (i32, i32) {
    %c0_i32 = arith.constant 0 : i32
    %c0_i32_0 = arith.constant 0 : i32
    %c0_i32_1 = arith.constant 0 : i32
    return %c0_i32, %c0_i32_0 : i32, i32
  }
  func.func @transform_4(%arg0: i32) -> (i32, i32) {
    %c0_i32 = arith.constant 0 : i32
    %c0_i32_0 = arith.constant 0 : i32
    %c0_i32_1 = arith.constant 0 : i32
    return %c0_i32, %c0_i32_0 : i32, i32
  }
  func.func @transform_5(%arg0: i32) -> (i32, i32) {
    %c0_i32 = arith.constant 0 : i32
    %c0_i32_0 = arith.constant 0 : i32
    %c0_i32_1 = arith.constant 0 : i32
    return %c0_i32, %c0_i32_0 : i32, i32
  }
  func.func @transform_6(%arg0: i32) -> (i32, i32) {
    %c0_i32 = arith.constant 0 : i32
    %c0_i32_0 = arith.constant 0 : i32
    return %arg0, %c0_i32 : i32, i32
  }
}

module attributes {stable_mosaic.version = 14 : i64} {
  func.func @_back_body(%arg0: i32, %arg1: memref<2000x64xf32, #tpu.memory_space<vmem>>, %arg2: memref<2000x1xf32, #tpu.memory_space<vmem>>, %arg3: memref<2000x1xf32, #tpu.memory_space<vmem>>, %arg4: memref<1x2000x32xf32, #tpu.memory_space<vmem>>, %arg5: memref<1x2000x32xf32, #tpu.memory_space<vmem>>, %arg6: memref<1x64xf32, #tpu.memory_space<vmem>>, %arg7: memref<64x64xf32, #tpu.memory_space<vmem>>, %arg8: memref<1x64xf32, #tpu.memory_space<vmem>>, %arg9: memref<64x2xf32, #tpu.memory_space<vmem>>, %arg10: memref<1x2xf32, #tpu.memory_space<vmem>>, %arg11: memref<2000x2xf32, #tpu.memory_space<vmem>>) attributes {dimension_semantics = [#tpu.dimension_semantics<arbitrary>], iteration_bounds = array<i64: 25>, scalar_prefetch = 0 : i64, scratch_operands = 0 : i64, tpu.core_type = #tpu.core_type<tc>, window_params = [{transform_indices = @transform_0, window_bounds = array<i64: 2000, 64>}, {transform_indices = @transform_1, window_bounds = array<i64: 2000, 1>}, {transform_indices = @transform_2, window_bounds = array<i64: 2000, 1>}, {transform_indices = @transform_3, window_bounds = array<i64: 1, 2000, 32>}, {transform_indices = @transform_4, window_bounds = array<i64: 1, 2000, 32>}, {pipeline_mode = #tpu.pipeline_mode<synchronous>, transform_indices = @transform_5, window_bounds = array<i64: 1, 64>}, {pipeline_mode = #tpu.pipeline_mode<synchronous>, transform_indices = @transform_6, window_bounds = array<i64: 64, 64>}, {pipeline_mode = #tpu.pipeline_mode<synchronous>, transform_indices = @transform_7, window_bounds = array<i64: 1, 64>}, {pipeline_mode = #tpu.pipeline_mode<synchronous>, transform_indices = @transform_8, window_bounds = array<i64: 64, 2>}, {pipeline_mode = #tpu.pipeline_mode<synchronous>, transform_indices = @transform_9, window_bounds = array<i64: 1, 2>}, {transform_indices = @transform_10, window_bounds = array<i64: 2000, 2>}]} {
    %get3A = arith.constant 0 : index
    %get3A_0 = arith.constant 0 : index
    %get3A_1 = vector.load %arg2[%get3A, %get3A_0] : memref<2000x1xf32, #tpu.memory_space<vmem>>, vector<2000x1xf32>
    %add3A = arith.constant 1.000000e+00 : f32
    %add3A_2 = vector.broadcast %add3A : f32 to vector<2000x1xf32>
    %add3A_3 = arith.addf %add3A_2, %get3A_1 : vector<2000x1xf32>
    %get3A_4 = arith.constant 0 : index
    %get3A_5 = arith.constant 0 : index
    %get3A_6 = vector.load %arg3[%get3A_4, %get3A_5] : memref<2000x1xf32, #tpu.memory_space<vmem>>, vector<2000x1xf32>
    %add3A_7 = arith.addf %add3A_3, %get3A_6 : vector<2000x1xf32>
    %rsqrt3A = math.rsqrt %add3A_7 : vector<2000x1xf32>
    %get3A_8 = arith.constant 0 : index
    %get3A_9 = arith.constant 0 : index
    %get3A_10 = arith.constant 0 : index
    %get3A_11 = vector.load %arg4[%get3A_8, %get3A_9, %get3A_10] : memref<1x2000x32xf32, #tpu.memory_space<vmem>>, vector<1x2000x32xf32>
    %get3A_12 = vector.shape_cast %get3A_11 : vector<1x2000x32xf32> to vector<2000x32xf32>
    %get3A_13 = arith.constant 0 : index
    %get3A_14 = arith.constant 0 : index
    %get3A_15 = arith.constant 0 : index
    %get3A_16 = vector.load %arg5[%get3A_13, %get3A_14, %get3A_15] : memref<1x2000x32xf32, #tpu.memory_space<vmem>>, vector<1x2000x32xf32>
    %get3A_17 = vector.shape_cast %get3A_16 : vector<1x2000x32xf32> to vector<2000x32xf32>
    %concatenate3A = tpu.concatenate %get3A_12, %get3A_17 in 1 : vector<2000x32xf32>, vector<2000x32xf32> -> vector<2000x64xf32>
    %get3A_18 = arith.constant 0 : index
    %get3A_19 = arith.constant 0 : index
    %get3A_20 = vector.load %arg1[%get3A_18, %get3A_19] : memref<2000x64xf32, #tpu.memory_space<vmem>>, vector<2000x64xf32>
    %mul3A = vector.broadcast %rsqrt3A : vector<2000x1xf32> to vector<2000x64xf32>
    %mul3A_21 = arith.mulf %mul3A, %get3A_20 : vector<2000x64xf32>
    %add3A_22 = arith.addf %mul3A_21, %concatenate3A : vector<2000x64xf32>
    %mul3A_23 = vector.broadcast %rsqrt3A : vector<2000x1xf32> to vector<2000x64xf32>
    %mul3A_24 = arith.mulf %mul3A_23, %add3A_22 : vector<2000x64xf32>
    %get3A_25 = arith.constant 0 : index
    %get3A_26 = arith.constant 0 : index
    %get3A_27 = vector.load %arg6[%get3A_25, %get3A_26] : memref<1x64xf32, #tpu.memory_space<vmem>>, vector<1x64xf32>
    %add3A_28 = vector.broadcast %get3A_27 : vector<1x64xf32> to vector<2000x64xf32>
    %add3A_29 = arith.addf %mul3A_24, %add3A_28 : vector<2000x64xf32>
    %tanh3A = math.tanh %add3A_29 : vector<2000x64xf32>
    %get3A_30 = arith.constant 0 : index
    %get3A_31 = arith.constant 0 : index
    %get3A_32 = vector.load %arg7[%get3A_30, %get3A_31] : memref<64x64xf32, #tpu.memory_space<vmem>>, vector<64x64xf32>
    %dot_general3A = arith.constant dense<0.000000e+00> : vector<2000x64xf32>
    %dot_general3A_33 = tpu.matmul %tanh3A, %get3A_32, %dot_general3A {dimension_numbers = #tpu.dot_dimension_numbers<[1], [0], [0], [1], [0, 0, 1, 1], [], []>, transpose_lhs_hint = false} : vector<2000x64xf32>, vector<64x64xf32>, vector<2000x64xf32> -> vector<2000x64xf32>
    %get3A_34 = arith.constant 0 : index
    %get3A_35 = arith.constant 0 : index
    %get3A_36 = vector.load %arg8[%get3A_34, %get3A_35] : memref<1x64xf32, #tpu.memory_space<vmem>>, vector<1x64xf32>
    %add3A_37 = vector.broadcast %get3A_36 : vector<1x64xf32> to vector<2000x64xf32>
    %add3A_38 = arith.addf %dot_general3A_33, %add3A_37 : vector<2000x64xf32>
    %max3A = arith.constant 0.000000e+00 : f32
    %max3A_39 = vector.broadcast %max3A : f32 to vector<2000x64xf32>
    %max3A_40 = arith.maximumf %add3A_38, %max3A_39 : vector<2000x64xf32>
    %get3A_41 = arith.constant 0 : index
    %get3A_42 = arith.constant 0 : index
    %get3A_43 = vector.load %arg9[%get3A_41, %get3A_42] : memref<64x2xf32, #tpu.memory_space<vmem>>, vector<64x2xf32>
    %dot_general3A_44 = arith.constant dense<0.000000e+00> : vector<2000x2xf32>
    %dot_general3A_45 = tpu.matmul %max3A_40, %get3A_43, %dot_general3A_44 {dimension_numbers = #tpu.dot_dimension_numbers<[1], [0], [0], [1], [0, 0, 1, 1], [], []>, transpose_lhs_hint = false} : vector<2000x64xf32>, vector<64x2xf32>, vector<2000x2xf32> -> vector<2000x2xf32>
    %get3A_46 = arith.constant 0 : index
    %get3A_47 = arith.constant 0 : index
    %get3A_48 = vector.load %arg10[%get3A_46, %get3A_47] : memref<1x2xf32, #tpu.memory_space<vmem>>, vector<1x2xf32>
    %add3A_49 = vector.broadcast %get3A_48 : vector<1x2xf32> to vector<2000x2xf32>
    %add3A_50 = arith.addf %dot_general3A_45, %add3A_49 : vector<2000x2xf32>
    %max3A_51 = arith.constant 0.000000e+00 : f32
    %max3A_52 = vector.broadcast %max3A_51 : f32 to vector<2000x2xf32>
    %max3A_53 = arith.maximumf %add3A_50, %max3A_52 : vector<2000x2xf32>
    %swap3A = arith.constant 0 : index
    %swap3A_54 = arith.constant 0 : index
    %swap3A_55 = vector.load %arg11[%swap3A, %swap3A_54] : memref<2000x2xf32, #tpu.memory_space<vmem>>, vector<2000x2xf32>
    tpu.vector_store %arg11[%swap3A, %swap3A_54], %max3A_53 {strides = array<i32>} : memref<2000x2xf32, #tpu.memory_space<vmem>>, vector<2000x2xf32>,
    return
  }
  func.func @transform_0(%arg0: i32) -> (i32, i32) {
    %c0_i32 = arith.constant 0 : i32
    %c0_i32_0 = arith.constant 0 : i32
    return %arg0, %c0_i32 : i32, i32
  }
  func.func @transform_1(%arg0: i32) -> (i32, i32) {
    %c0_i32 = arith.constant 0 : i32
    %c0_i32_0 = arith.constant 0 : i32
    return %arg0, %c0_i32 : i32, i32
  }
  func.func @transform_2(%arg0: i32) -> (i32, i32) {
    %c0_i32 = arith.constant 0 : i32
    %c0_i32_0 = arith.constant 0 : i32
    return %arg0, %c0_i32 : i32, i32
  }
  func.func @transform_3(%arg0: i32) -> (i32, i32, i32) {
    %c0_i32 = arith.constant 0 : i32
    %c0_i32_0 = arith.constant 0 : i32
    %c0_i32_1 = arith.constant 0 : i32
    return %c0_i32, %arg0, %c0_i32_0 : i32, i32, i32
  }
  func.func @transform_4(%arg0: i32) -> (i32, i32, i32) {
    %c1_i32 = arith.constant 1 : i32
    %c0_i32 = arith.constant 0 : i32
    %c0_i32_0 = arith.constant 0 : i32
    return %c1_i32, %arg0, %c0_i32 : i32, i32, i32
  }
  func.func @transform_5(%arg0: i32) -> (i32, i32) {
    %c0_i32 = arith.constant 0 : i32
    %c0_i32_0 = arith.constant 0 : i32
    %c0_i32_1 = arith.constant 0 : i32
    return %c0_i32, %c0_i32_0 : i32, i32
  }
  func.func @transform_6(%arg0: i32) -> (i32, i32) {
    %c0_i32 = arith.constant 0 : i32
    %c0_i32_0 = arith.constant 0 : i32
    %c0_i32_1 = arith.constant 0 : i32
    return %c0_i32, %c0_i32_0 : i32, i32
  }
  func.func @transform_7(%arg0: i32) -> (i32, i32) {
    %c0_i32 = arith.constant 0 : i32
    %c0_i32_0 = arith.constant 0 : i32
    %c0_i32_1 = arith.constant 0 : i32
    return %c0_i32, %c0_i32_0 : i32, i32
  }
  func.func @transform_8(%arg0: i32) -> (i32, i32) {
    %c0_i32 = arith.constant 0 : i32
    %c0_i32_0 = arith.constant 0 : i32
    %c0_i32_1 = arith.constant 0 : i32
    return %c0_i32, %c0_i32_0 : i32, i32
  }
  func.func @transform_9(%arg0: i32) -> (i32, i32) {
    %c0_i32 = arith.constant 0 : i32
    %c0_i32_0 = arith.constant 0 : i32
    %c0_i32_1 = arith.constant 0 : i32
    return %c0_i32, %c0_i32_0 : i32, i32
  }
  func.func @transform_10(%arg0: i32) -> (i32, i32) {
    %c0_i32 = arith.constant 0 : i32
    %c0_i32_0 = arith.constant 0 : i32
    return %arg0, %c0_i32 : i32, i32
  }
}

</mosaic_0001>

<sc_bundles>
// kernel: kernel.5.cloned.1.call-start
scs
__scs_entry_jumppad:
0x0: {  	(pc) =	sbr.rel $0x88, $3  }
0x1: {  	(tag) =	ssettag $0x0;
	lr =	simm.s32 $0x1  }
0x2: {  	[smem:$0x3F93] =	sst lr;
	_ =	strace $0xD0000000  }
0x3: {  	_ = 	snop  }
0x4: {  	_ = 	snop  }
0x5: {  	_ = 	snop  }
0x6: {  	_ = 	snop  }
0x7: {  	_ = 	snop  }
__scs_overlays_trampoline_lowered:
0x8: {  	[smem:$0x3FA2] =	sst s0  }
0x9: {  	[smem:$0x3FA3] =	sst s1  }
0xa: {  	[smem:$0x3FA4] =	sst s2  }
0xb: {  	[smem:$0x3FA5] =	sst s3  }
0xc: {  	[smem:$0x3FA6] =	sst s4  }
0xd: {  	[smem:$0x3FA7] =	sst s5  }
0xe: {  	[smem:$0x3FA8] =	sst s6  }
0xf: {  	[smem:$0x3FA9] =	sst s7  }
0x10: {  	[smem:$0x3FAA] =	sst s8  }
0x11: {  	[smem:$0x3FAB] =	sst s9;
	s0 =	simm.s32 @!p0 $0x0  }
0x12: {  	s1 =	sld [smem:$0x3F91];
	s0 =	simm.s32 @p0 $0x1  }
0x13: {  	[smem:$0x3FAC] =	sst s0;
	s0 =	simm.s32 @!p1 $0x0  }
0x14: {  	s2 =	sld [smem:$0x3F90];
	s0 =	simm.s32 @p1 $0x1  }
0x15: {  	[smem:$0x3FAD] =	sst s0;
	s0 =	simm.s32 @!p2 $0x0  }
0x16: {  	s3 =	sld [smem:$0x3FDB];
	s0 =	simm.s32 @p2 $0x1  }
0x17: {  	s4 =	simm.s32 $0x1BF5;
	[smem:$0x3FAF] =	sst s0  }
0x18: {  	s0 =	sld [smem:$0x3F92];
	_ =	swait.ge [sflag:s4], $0x0  }
0x19: {  	s7 =	sld [smem:$0x3F93]  }
0x1a: {  	s8 =	sadd.s32 $0xFFFFE003, lr  }
0x1b: {  	s9 =	sadd.s32 $0xFFFFFEF7, lr;
	s5 =	simm.s32 $0xFFFFFFFF;
	p2 =	slt.u32 s8, $0xFFFFF086  }
0x1c: {  	p1 =	slt.u32 s9, $0xF7A;
	s5 =	simm.s32 @!p2 $0x0  }
0x1d: {  	s5 =	simm.s32 @p1 $0x1;
	p0 =	seq.s32 s7, s2  }
0x1e: {  	s7 =	smul.u32 @!p0 $0xF7A, s2;
	p2 =	seq.s32 @!p0 s5, $0x0  }
0x1f: {  	s9 =	smul.u32 $0xF7A, s1;
	s8 =	simm.s32 @!p0 $0x1BF5;
	p2 =	por !p2, p0  }
0x20: {  	[sflag:s8] =	ssyncset.s32 @!p0 $0xFFFFF086;
	s6 =	sadd.s32 @!p0 s3, s7;
	s7 =	simm.s32 @!p0 $0x108  }
0x21: {  	s3 =	sadd.s32 s3, s9;
	s6 =	sadd.s32 @!p0 $0x88, s6;
	s7 =	simm.s32 @p2 $0x1082  }
0x22: {  	[simem:s7], [sflag:s8] =	dma.local @!p0 [hbm:s6], $0xF7A  }
0x23: {  	s9 =	sor.u32 $0xD0000000, s2;
	s6 =	simm.s32 $0x108;
	_ =	swait.ge @!p0 [sflag:s8], $0x0  }
0x24: {  	s3 =	sadd.s32 $0x88, s3;
	s6 =	simm.s32 @!p1 $0x1082;
	[sflag:s4] =	ssyncset.s32 $0xFFFFF086  }
0x25: {  	[simem:s6], [sflag:s4] =	dma.local [hbm:s3], $0xF7A  }
0x26: {  	[smem:$0x3F93] =	sst s1;
	(tag) =	ssettag s2;
	_ =	strace s9  }
0x27: {  	s1 =	sld [smem:$0x3FA3]  }
0x28: {  	s2 =	sld [smem:$0x3FA4]  }
0x29: {  	s4 =	sld [smem:$0x3FA6]  }
0x2a: {  	p0 =	seq.s32 s5, $0x0;
	s5 =	sld [smem:$0x3FA7]  }
0x2b: {  	s6 =	sld [smem:$0x3FA8]  }
0x2c: {  	s7 =	sld [smem:$0x3FA9]  }
0x2d: {  	s3 =	simm.s32 $0x108;
	s8 =	sld [smem:$0x3FAA]  }
0x2e: {  	s3 =	simm.s32 @!p0 $0x1082;
	s9 =	sld [smem:$0x3FAB]  }
0x2f: {  	lr =	sadd.s32 s0, s3;
	s0 =	sld [smem:$0x3FA2]  }
0x30: {  	s3 =	sld [smem:$0x3FA5]  }
0x31: {  	[smem:$0x3FAE] =	sst s10  }
0x32: {  	s10 =	sld [smem:$0x3FAC];
	_ =	sdelay $0x3  }
0x33: {  	p0 =	seq.s32 s10, $0x1;
	s10 =	sld [smem:$0x3FAE];
	_ =	sdelay $0x3  }
0x34: {  	[smem:$0x3FAE] =	sst s10  }
0x35: {  	s10 =	sld [smem:$0x3FAD];
	_ =	sdelay $0x3  }
0x36: {  	p1 =	seq.s32 s10, $0x1;
	s10 =	sld [smem:$0x3FAE];
	_ =	sdelay $0x3  }
0x37: {  	[smem:$0x3FAE] =	sst s10  }
0x38: {  	s10 =	sld [smem:$0x3FAF]  }
0x39: {  	_ = 	snop;
	(pc) =	sbr.ind lr, $3  }
0x3a: {  	_ = 	snop  }
0x3b: {  	_ = 	snop  }
0x3c: {  	p2 =	seq.s32 s10, $0x1;
	s10 =	sld [smem:$0x3FAE]  }
0x3d: {  	_ =	shalt  }
0x3e: {  	_ =	shalt  }
0x3f: {  	_ =	shalt  }
0x40: {  	_ =	shalt  }
0x41: {  	_ =	shalt  }
0x42: {  	_ =	shalt  }
0x43: {  	_ =	shalt  }
0x44: {  	_ =	shalt  }
0x45: {  	_ =	shalt  }
0x46: {  	_ =	shalt  }
0x47: {  	_ =	shalt  }
0x48: {  	_ =	shalt  }
0x49: {  	_ =	shalt  }
0x4a: {  	_ =	shalt  }
0x4b: {  	_ =	shalt  }
0x4c: {  	_ =	shalt  }
0x4d: {  	_ =	shalt  }
0x4e: {  	_ =	shalt  }
0x4f: {  	_ =	shalt  }
0x50: {  	_ =	shalt  }
0x51: {  	_ =	shalt  }
0x52: {  	_ =	shalt  }
0x53: {  	_ =	shalt  }
0x54: {  	_ =	shalt  }
0x55: {  	_ =	shalt  }
0x56: {  	_ =	shalt  }
0x57: {  	_ =	shalt  }
0x58: {  	_ =	shalt  }
0x59: {  	_ =	shalt  }
0x5a: {  	_ =	shalt  }
0x5b: {  	_ =	shalt  }
0x5c: {  	_ =	shalt  }
0x5d: {  	_ =	shalt  }
0x5e: {  	_ =	shalt  }
0x5f: {  	_ =	shalt  }
0x60: {  	_ =	shalt  }
0x61: {  	_ =	shalt  }
0x62: {  	_ =	shalt  }
0x63: {  	_ =	shalt  }
0x64: {  	_ =	shalt  }
0x65: {  	_ =	shalt  }
0x66: {  	_ =	shalt  }
0x67: {  	_ =	shalt  }
0x68: {  	_ =	shalt  }
0x69: {  	_ =	shalt  }
0x6a: {  	_ =	shalt  }
0x6b: {  	_ =	shalt  }
0x6c: {  	_ =	shalt  }
0x6d: {  	_ =	shalt  }
0x6e: {  	_ =	shalt  }
0x6f: {  	_ =	shalt  }
0x70: {  	_ =	shalt  }
0x71: {  	_ =	shalt  }
0x72: {  	_ =	shalt  }
0x73: {  	_ =	shalt  }
0x74: {  	_ =	shalt  }
0x75: {  	_ =	shalt  }
0x76: {  	_ =	shalt  }
0x77: {  	_ =	shalt  }
0x78: {  	_ =	shalt  }
0x79: {  	_ =	shalt  }
0x7a: {  	_ =	shalt  }
0x7b: {  	_ =	shalt  }
0x7c: {  	_ =	shalt  }
0x7d: {  	_ =	shalt  }
0x7e: {  	_ =	shalt  }
0x7f: {  	_ =	shalt  }
0x80: {  	_ =	shalt  }
0x81: {  	_ =	shalt  }
0x82: {  	_ =	shalt  }
0x83: {  	_ =	shalt  }
0x84: {  	_ =	shalt  }
0x85: {  	_ =	shalt  }
0x86: {  	_ =	shalt  }
0x87: {  	_ =	shalt  }
.Lfunc_end0:
.L_simem_size_0:
called_computation.1_lowered:
.L_overlay_start_0:
0x88: {  	s2 =	sld [smem:$0x3FD9]  }
0x89: {  	s3 =	sld [smem:$0x3FFE];
	_ =	sdelay $0x1  }
0x8a: {  	s1 =	srdreg.scid  }
0x8b: {  	s0 =	sand.u32 $0x1, s1  }
0x8c: {  	s17 =	sshll.u32 s0, $0xA;
	s2 =	sadd.s32 s3, s2  }
0x8d: {  	s2 =	sadd.s32 s2, s17  }
0x8e: {  	[smem:$0x3FBA] =	sst s2  }
0x8f: {  	_ = 	snop  }
0x90: {  	s2 =	sld [smem:$0x3FC6];
	(tm) =	ssettm $0x1  }
0x91: {  	s18 =	sld [smem:$0x3FFB];
	_ =	sdelay $0x3  }
0x92: {  	_ =	strace s18  }
0x93: {  	s3 =	sld [smem:$0x3FFC];
	_ =	sdelay $0x3  }
0x94: {  	_ =	strace s3  }
0x95: {  	s3 =	sld [smem:$0x3FFD];
	_ =	sdelay $0x3  }
0x96: {  	_ =	strace s3  }
0x97: {  	_ =	strace $0x8FFFFFFF  }
0x98: {  	s19 =	sld [smem:$0x3FDB];
	_ =	sdelay $0x1  }
0x99: {  	s4 =	simm.s32 $_scs_section_size  }
0x9a: {  	s5 =	simm.s32 $_size__tile_overlayer_lowered;
	s6 =	simm.s32 $_tile_overlayer_lowered  }
0x9b: {  	s22 =	simm.s32 $0x1BFF;
	s21 =	sshll.u32 s6, $0x1;
	s3 =	sadd.s32 s4, s19  }
0x9c: {  	s7 =	simm.s32 $0x0;
	s20 =	sshll.u32 s5, $0x1;
	s5 =	sadd.s32 s21, s3  }
0x9d: {  	[timem:s7], [sflag:s22] =	dma.local [hbm:s5], s20  }
0x9e: {  	_ =	swait.ge [sflag:s22], s20  }
0x9f: {  	s4 =	ssub.s32 $0x0, s20;
	[sflag:s22] =	ssyncset.done $0x0  }
0xa0: {  	[sflag:s22] =	ssyncadd.s32 s4;
	_ =	sdelay $0x1  }
0xa1: {  	s23 =	simm.s32 $0x1B8B  }
0xa2: {  	_ =	swait.ge [sflag:s23], $0x1  }
0xa3: {  	[sflag:s23] =	ssyncset.done $0x0  }
0xa4: {  	s25 =	simm.s32 $0x1B8E;
	s24 =	sld [smem:$0x3FFE];
	[sflag:s23] =	ssyncadd.s32 $0xFFFFFFFF  }
0xa5: {  	s26 =	simm.s32 $execute0_lowered;
	[smem:$0x3FD2] =	sst s25  }
0xa6: {  	s5 =	sshll.u32 s26, $0x1;
	_ =	strace $0x80000046;
	[dreg:$0x1] =	wrdreg $0xFFFFFFFF  }
0xa7: {  	s28 =	simm.s32 $_size_execute0_lowered;
	s3 =	sadd.s32 s3, s5;
	[dreg:$0x0] =	wrdreg $0x0  }
0xa8: {  	s5 =	sshll.u32 s28, $0x1;
	[dreg:$0x2] =	wrdreg s3  }
0xa9: {  	[dreg:$0x3] =	wrdreg s5  }
0xaa: {  	[dreg:$0x4] =	wrdreg $0xC0  }
0xab: {  	_ =	task [dreg:s7], $0x5FFFF  }
0xac: {  	[dreg:$0x1] =	wrdreg $0xFFFFFFFF  }
0xad: {  	[dreg:$0x0] =	wrdreg $0x60  }
0xae: {  	[dreg:$0x2] =	wrdreg s24  }
0xaf: {  	[dreg:$0x3] =	wrdreg s2  }
0xb0: {  	[dreg:$0x4] =	wrdreg $0x0  }
0xb1: {  	[dreg:$0x5] =	wrdreg $0x9  }
0xb2: {  	_ =	task.clear_ibuf [dreg:s7], $0x6FFFF;
	_ =	strace $0x90000046  }
0xb3: {  	s29 =	simm.s32 $0x9;
	_ =	strace $0x80000048  }
0xb4: {  	_ =	swait.ge [sflag:s29], $0x1  }
0xb5: {  	[sflag:s29] =	ssyncadd.s32 $0xFFFFFFFF  }
0xb6: {  	_ =	strace $0x90000048  }
0xb7: {  	_ =	sfence  }
0xb8: {  	s30 =	sld [smem:$0x0];
	_ =	sdelay $0x2  }
0xb9: {  	s31 =	sshll.u32 s1, $0xD;
	s1 =	sshrl.u32 s1, $0x2  }
0xba: {  	s3 =	sand.u32 $0x4000, s31;
	s1 =	sadd.s32 s1, s30  }
0xbb: {  	s0 =	sor.u32 s3, s0;
	s1 =	sshll.u32 s1, $0x11  }
0xbc: {  	s0 =	sor.u32 s1, s0  }
0xbd: {  	s0 =	sadd.s32 $0x8F2B, s0  }
0xbe: {  	[sflag:s0] =	ssyncadd.remote.s32 $0x1  }
0xbf: {  	_ =	sfence.sel $0xFFFF  }
0xc0: {  	[dreg:$0x0] =	wrdreg $0xFFFFFFFF;
	(pc) =	sbr.abs _section_cstart, $3  }
0xc1: {  	[dreg:$0x1] =	wrdreg $0xFFFFFFFF  }
0xc2: {  	_ =	task.clear_ibuf [dreg:s7], $0x2FFFF;
	_ =	strace $0x9FFFFFFF  }
0xc3: {  	(tm) =	ssettm $0x7FFFFFFF  }
tec
execute0_lowered:
.L_overlay_start_1:
0x0: {  	(tag) =	ssettag $0x1  }
0x1: {  	s4 =	rddreg [dreg:$0x0]  }
0x2: {  	s0 =	srdreg.scid;
	s8 =	rddreg [dreg:$0x1]  }
0x3: {  	s2 =	rddreg [dreg:$0x2];
	s5 =	sand.u32 $0x1, s0  }
0x4: {  	s0 =	stileid.u32;
	s6 =	smul.u32 $0x61A80, s5  }
0x5: {  	s1 =	rddreg [dreg:$0x3];
	s3 =	simm.s32 $0x0;
	s7 =	smul.u32 $0x61A8, s0  }
0x6: {  	s14 =	simm.s32 $0x0;
	[smem:$0x7FF] =	sst s3;
	s28 =	smul.u32 $0xC80, s0  }
0x7: {  	s11 =	sadd.s32 $0x19000, s4;
	s29 =	smul.u32 $0xC350, s5;
	s30 =	ssub.s32 $0x2, s5  }
0x8: {  	_ =	strace $0x80000047;
	p0 =	seq.s32 s0, $0xF;
	s5 =	sshrl.u32 s30, $0x1  }
0x9: {  	s6 =	sadd.s32 s7, s6;
	s12 =	sadd.s32 s28, s29;
	s13 =	ssub.s32 s30, s5  }
0xa: {  	s9 =	sshrl.u32 s6, $0x3;
	s6 =	sshrl.u32 s29, $0x3;
	s31 =	sshrl.u32 s12, $0x3  }
0xb: {  	s7 =	smax.u32 s13, $0x1;
	s12 =	simm.s32 $0x1038;
	s13 =	simm.s32 $0x3E8  }
0xc: {  	s10 =	sadd.s32 s9, s4;
	s6 =	sadd.s32 s11, s6;
	s4 =	sadd.s32 s28, s2  }
0xd: {  	s5 =	sadd.s32 s11, s31;
	s8 =	sadd.s32 s9, s8;
	s11 =	simm.s32 $0x1  }
0xe: {  	v0 =	vimm.f32 $0.0e+00;
	s6 =	sadd.s32 $0x1770, s6;
	s9 =	sadd.s32 $0x800, s10;
	s10 =	simm.s32 $0xC38  }
.LBB2_1:
0xf: {  	s15 =	simm.s32 $0x40;
	s16 =	simm.s32 $0x0  }
.LBB2_2:
0x10: {  	p1 =	sne.s32 s15, $0x31C0;
	[tilespmem:s16+$0x1438] =	vst v0;
	s16 =	smov.u32 s15;
	s15 =	sadd.s32 $0x40, s15  }
.Ltmp0:
0x11: {  	(pc) =	sbr.rel @p1 .LBB2_2-.Ltmp0, $2  }
0x12: {  	_ =	sdelay $0x2  }
0x13: {  	s16 =	sshra.s32 s16, $0x2  }
0x14: {  	[tilespmem:s16+$0x1438] =	vst v0;
	s15 =	simm.s32 @p0 $0x1438  }
0x15: {  	[spmem:s4] =	stream.linear.scatter @p0 [tilespmem:s15], [sflag:$0x1], $0x7D0, $0x38;
	[tilespmem:$0x20B8] =	vst v63  }
0x16: {  	s15 =	simm.s32 @p0 $0x1  }
0x17: {  	_ =	swait.ge @p0 [sflag:s15], $0x7D0  }
0x18: {  	[sflag:s15] =	ssyncset.done @p0 $0x0  }
0x19: {  	[sflag:s15] =	ssyncadd.s32 @p0 $0xFFFFF830;
	s15 =	simm.s32 @!p0 $0x1438  }
0x1a: {  	[spmem:s4] =	stream.linear.scatter @!p0 [tilespmem:s15], [sflag:$0x1], $0xC80, $0x38;
	[tilespmem:$0x20B8] =	vst v63  }
0x1b: {  	s15 =	simm.s32 @!p0 $0x1  }
0x1c: {  	_ =	swait.ge @!p0 [sflag:s15], $0xC80  }
0x1d: {  	[sflag:s15] =	ssyncset.done @!p0 $0x0  }
0x1e: {  	[sflag:s15] =	ssyncadd.s32 @!p0 $0xFFFFF380  }
0x1f: {  	s30 =	sadd.s32 $0x0, s9;
	[bflag:$0x0] =	sbarrier.arrive $0xFFFF  }
0x20: {  	[tilespmem:s10], [sflag:$0x1] =	stream.linear.gather [hbm4b:s30+s3], $0x3E8, $0x38;
	[tilespmem:$0x20B8] =	vst v63  }
0x21: {  	_ =	swait.ge [sflag:s11], $0x3E8  }
0x22: {  	[sflag:s11] =	ssyncset.done $0x0  }
0x23: {  	s31 =	sadd.s32 $0x0, s8;
	[sflag:s11] =	ssyncadd.s32 $0xFFFFFC18  }
0x24: {  	[tilespmem:s12], [sflag:$0x1] =	stream.linear.gather [hbm4b:s31+s3], $0x3E8, $0x38;
	[tilespmem:$0x20B8] =	vst v63  }
0x25: {  	_ =	swait.ge [sflag:s11], $0x3E8  }
0x26: {  	[sflag:s11] =	ssyncset.done $0x0  }
0x27: {  	[sflag:s11] =	ssyncadd.s32 $0xFFFFFC18  }
0x28: {  	[spmem:s2] =	stream.indirect.scatter.add.f32 [tilespmem:s12], [sflag:$0x1], $0x1, s10, s13, $0xb8;
	[tilespmem:$0x20B8] =	vst v63  }
0x29: {  	_ =	swait.ge [sflag:s11], $0x3E8  }
0x2a: {  	s16 =	simm.s32 $0xFA;
	s15 =	simm.s32 $0x7D;
	[sflag:s11] =	ssyncset.done $0x0  }
.LBB2_4:
0x2b: {  	s17 =	sadd.s32 s15, s9  }
0x2c: {  	[sflag:s11] =	ssyncadd.s32 $0xFFFFFC18;
	s18 =	smov.u32 s16;
	s19 =	sadd.s32 $0x7D, s16  }
0x2d: {  	[tilespmem:s10], [sflag:$0x1] =	stream.linear.gather [hbm4b:s17+s3], $0x3E8, $0x38;
	[tilespmem:$0x20B8] =	vst v63  }
0x2e: {  	p1 =	sne.s32 s16, $0xBB8;
	_ =	swait.ge [sflag:s11], $0x3E8  }
0x2f: {  	[sflag:s11] =	ssyncset.done $0x0  }
0x30: {  	s16 =	sadd.s32 s15, s8;
	s15 =	smov.u32 s18;
	[sflag:s11] =	ssyncadd.s32 $0xFFFFFC18  }
0x31: {  	[tilespmem:s12], [sflag:$0x1] =	stream.linear.gather [hbm4b:s16+s3], $0x3E8, $0x38;
	[tilespmem:$0x20B8] =	vst v63  }
0x32: {  	_ =	swait.ge [sflag:s11], $0x3E8  }
.Ltmp1:
0x33: {  	[sflag:s11] =	ssyncset.done $0x0;
	(pc) =	sbr.rel @p1 .LBB2_4-.Ltmp1, $4  }
0x34: {  	[sflag:s11] =	ssyncadd.s32 $0xFFFFFC18  }
0x35: {  	[spmem:s2] =	stream.indirect.scatter.add.f32 [tilespmem:s12], [sflag:$0x1], $0x1, s10, s13, $0xb8;
	[tilespmem:$0x20B8] =	vst v63  }
0x36: {  	_ =	swait.ge [sflag:s11], $0x3E8  }
0x37: {  	s16 =	smov.u32 s19;
	[sflag:s11] =	ssyncset.done $0x0  }
0x38: {  	s16 =	sadd.s32 s15, s9;
	[sflag:s11] =	ssyncadd.s32 $0xFFFFFC18  }
0x39: {  	[tilespmem:s10], [sflag:$0x1] =	stream.linear.gather [hbm4b:s16+s3], $0x3E8, $0x38;
	[tilespmem:$0x20B8] =	vst v63  }
0x3a: {  	_ =	swait.ge [sflag:s11], $0x3E8  }
0x3b: {  	[sflag:s11] =	ssyncset.done $0x0  }
0x3c: {  	s31 =	sadd.s32 s15, s8;
	[sflag:s11] =	ssyncadd.s32 $0xFFFFFC18  }
0x3d: {  	[tilespmem:s12], [sflag:$0x1] =	stream.linear.gather [hbm4b:s31+s3], $0x3E8, $0x38;
	[tilespmem:$0x20B8] =	vst v63  }
0x3e: {  	_ =	swait.ge [sflag:s11], $0x3E8  }
0x3f: {  	[sflag:s11] =	ssyncset.done $0x0  }
0x40: {  	[sflag:s11] =	ssyncadd.s32 $0xFFFFFC18  }
0x41: {  	[spmem:s2] =	stream.indirect.scatter.add.f32 [tilespmem:s12], [sflag:$0x1], $0x1, s10, s13, $0xb8;
	[tilespmem:$0x20B8] =	vst v63  }
0x42: {  	_ =	swait.ge [sflag:s11], $0x3E8  }
0x43: {  	[sflag:s11] =	ssyncset.done $0x0  }
0x44: {  	[sflag:s11] =	ssyncadd.s32 $0xFFFFFC18  }
0x45: {  	s15 =	simm.s32 @p0 $0x1438;
	s16 =	simm.s32 @p0 $0x1;
	[bflag:$0x0] =	sbarrier.arrive $0xFFFF  }
0x46: {  	[tilespmem:s15], [sflag:$0x1] =	stream.linear.gather @p0 [spmem:s4], $0x7D0, $0x38;
	[tilespmem:$0x20B8] =	vst v63  }
0x47: {  	_ =	swait.ge @p0 [sflag:s16], $0x7D0  }
0x48: {  	[sflag:s16] =	ssyncset.done @p0 $0x0  }
0x49: {  	s17 =	simm.s32 @p0 $0x0;
	[sflag:s16] =	ssyncadd.s32 @p0 $0xFFFFF830  }
0x4a: {  	[hbm4b:s6+s17] =	stream.linear.scatter @p0 [tilespmem:s15], [sflag:$0x1], $0x7D0, $0x38;
	[tilespmem:$0x20B8] =	vst v63  }
0x4b: {  	_ =	swait.ge @p0 [sflag:s16], $0x7D0  }
0x4c: {  	[sflag:s16] =	ssyncset.done @p0 $0x0  }
0x4d: {  	s15 =	simm.s32 @!p0 $0x1438;
	[sflag:s16] =	ssyncadd.s32 @p0 $0xFFFFF830;
	s16 =	simm.s32 @!p0 $0x1  }
0x4e: {  	[tilespmem:s15], [sflag:$0x1] =	stream.linear.gather @!p0 [spmem:s4], $0xC80, $0x38;
	[tilespmem:$0x20B8] =	vst v63  }
0x4f: {  	s14 =	sadd.s32 $0x1, s14;
	_ =	swait.ge @!p0 [sflag:s16], $0xC80  }
0x50: {  	p1 =	sne.s32 s14, s7;
	[sflag:s16] =	ssyncset.done @!p0 $0x0  }
.Ltmp2:
0x51: {  	s17 =	simm.s32 @!p0 $0x0;
	[sflag:s16] =	ssyncadd.s32 @!p0 $0xFFFFF380;
	(pc) =	sbr.rel @p1 .LBB2_1-.Ltmp2, $4  }
0x52: {  	[hbm4b:s5+s17] =	stream.linear.scatter @!p0 [tilespmem:s15], [sflag:$0x1], $0xC80, $0x38;
	[tilespmem:$0x20B8] =	vst v63  }
0x53: {  	_ =	swait.ge @!p0 [sflag:s16], $0xC80  }
0x54: {  	[sflag:s16] =	ssyncset.done @!p0 $0x0  }
0x55: {  	[sflag:s16] =	ssyncadd.s32 @!p0 $0xFFFFF380  }
0x56: {  	_ =	sfence.sel $0x180000  }
0x57: {  	[bflag:$0x0] =	sbarrier.arrive $0xFFFF  }
0x58: {  	p0 =	sne.s32 s0, $0x0;
	_ =	strace $0x90000047  }
0x59: {  	s0 =	sadd.s32 @!p0 $0x100000, s1;
	[bflag:$0x2] =	sbarrier.arrive $0xFFFF  }
0x5a: {  	[sflag:s0] =	ssyncadd.tile.s32 @!p0 $0x1;
	_ =	shalt  }
.Lfunc_end2:
_tile_overlayer_lowered:
.L_overlay_start_2:
0x5b: {  	(tag) =	ssettag $0x2  }
0x5c: {  	s0 =	rddreg [dreg:$0x0];
	s2 =	stileid.u32  }
0x5d: {  	s1 =	rddreg [dreg:$0x1];
	p0 =	sne.s32 s2, $0x0  }
0x5e: {  	s3 =	rddreg [dreg:$0x2];
	[bflag:$0x3] =	sbarrier.arrive $0xFFFF;
	s2 =	simm.s32 @!p0 $0x1C01  }
0x5f: {  	[timem:s3], [sflag:s2] =	dma.local @!p0 [hbm:s0], s1  }
0x60: {  	s0 =	simm.s32 @!p0 $0x1  }
0x61: {  	_ =	swait.ge @!p0 [sflag:s0], s1  }
0x62: {  	s1 =	ssub.s32 @!p0 $0x0, s1;
	[sflag:s0] =	ssyncset.done @!p0 $0x0  }
0x63: {  	[sflag:s0] =	ssyncadd.s32 @!p0 s1  }
0x64: {  	[bflag:$0x3] =	sbarrier.arrive $0xFFFF  }
0x65: {  	_ =	shalt  }

// kernel: scatter_offload_async_start
scs
__scs_entry_jumppad:
0x0: {  	(pc) =	sbr.rel $0x88, $3  }
0x1: {  	(tag) =	ssettag $0x0;
	lr =	simm.s32 $0x1  }
0x2: {  	[smem:$0x3F93] =	sst lr;
	_ =	strace $0xD0000000  }
0x3: {  	_ = 	snop  }
0x4: {  	_ = 	snop  }
0x5: {  	_ = 	snop  }
0x6: {  	_ = 	snop  }
0x7: {  	_ = 	snop  }
__scs_overlays_trampoline_lowered:
0x8: {  	[smem:$0x3FA2] =	sst s0  }
0x9: {  	[smem:$0x3FA3] =	sst s1  }
0xa: {  	[smem:$0x3FA4] =	sst s2  }
0xb: {  	[smem:$0x3FA5] =	sst s3  }
0xc: {  	[smem:$0x3FA6] =	sst s4  }
0xd: {  	[smem:$0x3FA7] =	sst s5  }
0xe: {  	[smem:$0x3FA8] =	sst s6  }
0xf: {  	[smem:$0x3FA9] =	sst s7  }
0x10: {  	[smem:$0x3FAA] =	sst s8  }
0x11: {  	[smem:$0x3FAB] =	sst s9;
	s0 =	simm.s32 @!p0 $0x0  }
0x12: {  	s1 =	sld [smem:$0x3F91];
	s0 =	simm.s32 @p0 $0x1  }
0x13: {  	[smem:$0x3FAC] =	sst s0;
	s0 =	simm.s32 @!p1 $0x0  }
0x14: {  	s2 =	sld [smem:$0x3F90];
	s0 =	simm.s32 @p1 $0x1  }
0x15: {  	[smem:$0x3FAD] =	sst s0;
	s0 =	simm.s32 @!p2 $0x0  }
0x16: {  	s3 =	sld [smem:$0x3FDB];
	s0 =	simm.s32 @p2 $0x1  }
0x17: {  	s4 =	simm.s32 $0x1BF5;
	[smem:$0x3FAF] =	sst s0  }
0x18: {  	s0 =	sld [smem:$0x3F92];
	_ =	swait.ge [sflag:s4], $0x0  }
0x19: {  	s7 =	sld [smem:$0x3F93]  }
0x1a: {  	s8 =	sadd.s32 $0xFFFFE003, lr  }
0x1b: {  	s9 =	sadd.s32 $0xFFFFFEF7, lr;
	s5 =	simm.s32 $0xFFFFFFFF;
	p2 =	slt.u32 s8, $0xFFFFF086  }
0x1c: {  	p1 =	slt.u32 s9, $0xF7A;
	s5 =	simm.s32 @!p2 $0x0  }
0x1d: {  	s5 =	simm.s32 @p1 $0x1;
	p0 =	seq.s32 s7, s2  }
0x1e: {  	s7 =	smul.u32 @!p0 $0xF7A, s2;
	p2 =	seq.s32 @!p0 s5, $0x0  }
0x1f: {  	s9 =	smul.u32 $0xF7A, s1;
	s8 =	simm.s32 @!p0 $0x1BF5;
	p2 =	por !p2, p0  }
0x20: {  	[sflag:s8] =	ssyncset.s32 @!p0 $0xFFFFF086;
	s6 =	sadd.s32 @!p0 s3, s7;
	s7 =	simm.s32 @!p0 $0x108  }
0x21: {  	s3 =	sadd.s32 s3, s9;
	s6 =	sadd.s32 @!p0 $0x88, s6;
	s7 =	simm.s32 @p2 $0x1082  }
0x22: {  	[simem:s7], [sflag:s8] =	dma.local @!p0 [hbm:s6], $0xF7A  }
0x23: {  	s9 =	sor.u32 $0xD0000000, s2;
	s6 =	simm.s32 $0x108;
	_ =	swait.ge @!p0 [sflag:s8], $0x0  }
0x24: {  	s3 =	sadd.s32 $0x88, s3;
	s6 =	simm.s32 @!p1 $0x1082;
	[sflag:s4] =	ssyncset.s32 $0xFFFFF086  }
0x25: {  	[simem:s6], [sflag:s4] =	dma.local [hbm:s3], $0xF7A  }
0x26: {  	[smem:$0x3F93] =	sst s1;
	(tag) =	ssettag s2;
	_ =	strace s9  }
0x27: {  	s1 =	sld [smem:$0x3FA3]  }
0x28: {  	s2 =	sld [smem:$0x3FA4]  }
0x29: {  	s4 =	sld [smem:$0x3FA6]  }
0x2a: {  	p0 =	seq.s32 s5, $0x0;
	s5 =	sld [smem:$0x3FA7]  }
0x2b: {  	s6 =	sld [smem:$0x3FA8]  }
0x2c: {  	s7 =	sld [smem:$0x3FA9]  }
0x2d: {  	s3 =	simm.s32 $0x108;
	s8 =	sld [smem:$0x3FAA]  }
0x2e: {  	s3 =	simm.s32 @!p0 $0x1082;
	s9 =	sld [smem:$0x3FAB]  }
0x2f: {  	lr =	sadd.s32 s0, s3;
	s0 =	sld [smem:$0x3FA2]  }
0x30: {  	s3 =	sld [smem:$0x3FA5]  }
0x31: {  	[smem:$0x3FAE] =	sst s10  }
0x32: {  	s10 =	sld [smem:$0x3FAC];
	_ =	sdelay $0x3  }
0x33: {  	p0 =	seq.s32 s10, $0x1;
	s10 =	sld [smem:$0x3FAE];
	_ =	sdelay $0x3  }
0x34: {  	[smem:$0x3FAE] =	sst s10  }
0x35: {  	s10 =	sld [smem:$0x3FAD];
	_ =	sdelay $0x3  }
0x36: {  	p1 =	seq.s32 s10, $0x1;
	s10 =	sld [smem:$0x3FAE];
	_ =	sdelay $0x3  }
0x37: {  	[smem:$0x3FAE] =	sst s10  }
0x38: {  	s10 =	sld [smem:$0x3FAF]  }
0x39: {  	_ = 	snop;
	(pc) =	sbr.ind lr, $3  }
0x3a: {  	_ = 	snop  }
0x3b: {  	_ = 	snop  }
0x3c: {  	p2 =	seq.s32 s10, $0x1;
	s10 =	sld [smem:$0x3FAE]  }
0x3d: {  	_ =	shalt  }
0x3e: {  	_ =	shalt  }
0x3f: {  	_ =	shalt  }
0x40: {  	_ =	shalt  }
0x41: {  	_ =	shalt  }
0x42: {  	_ =	shalt  }
0x43: {  	_ =	shalt  }
0x44: {  	_ =	shalt  }
0x45: {  	_ =	shalt  }
0x46: {  	_ =	shalt  }
0x47: {  	_ =	shalt  }
0x48: {  	_ =	shalt  }
0x49: {  	_ =	shalt  }
0x4a: {  	_ =	shalt  }
0x4b: {  	_ =	shalt  }
0x4c: {  	_ =	shalt  }
0x4d: {  	_ =	shalt  }
0x4e: {  	_ =	shalt  }
0x4f: {  	_ =	shalt  }
0x50: {  	_ =	shalt  }
0x51: {  	_ =	shalt  }
0x52: {  	_ =	shalt  }
0x53: {  	_ =	shalt  }
0x54: {  	_ =	shalt  }
0x55: {  	_ =	shalt  }
0x56: {  	_ =	shalt  }
0x57: {  	_ =	shalt  }
0x58: {  	_ =	shalt  }
0x59: {  	_ =	shalt  }
0x5a: {  	_ =	shalt  }
0x5b: {  	_ =	shalt  }
0x5c: {  	_ =	shalt  }
0x5d: {  	_ =	shalt  }
0x5e: {  	_ =	shalt  }
0x5f: {  	_ =	shalt  }
0x60: {  	_ =	shalt  }
0x61: {  	_ =	shalt  }
0x62: {  	_ =	shalt  }
0x63: {  	_ =	shalt  }
0x64: {  	_ =	shalt  }
0x65: {  	_ =	shalt  }
0x66: {  	_ =	shalt  }
0x67: {  	_ =	shalt  }
0x68: {  	_ =	shalt  }
0x69: {  	_ =	shalt  }
0x6a: {  	_ =	shalt  }
0x6b: {  	_ =	shalt  }
0x6c: {  	_ =	shalt  }
0x6d: {  	_ =	shalt  }
0x6e: {  	_ =	shalt  }
0x6f: {  	_ =	shalt  }
0x70: {  	_ =	shalt  }
0x71: {  	_ =	shalt  }
0x72: {  	_ =	shalt  }
0x73: {  	_ =	shalt  }
0x74: {  	_ =	shalt  }
0x75: {  	_ =	shalt  }
0x76: {  	_ =	shalt  }
0x77: {  	_ =	shalt  }
0x78: {  	_ =	shalt  }
0x79: {  	_ =	shalt  }
0x7a: {  	_ =	shalt  }
0x7b: {  	_ =	shalt  }
0x7c: {  	_ =	shalt  }
0x7d: {  	_ =	shalt  }
0x7e: {  	_ =	shalt  }
0x7f: {  	_ =	shalt  }
0x80: {  	_ =	shalt  }
0x81: {  	_ =	shalt  }
0x82: {  	_ =	shalt  }
0x83: {  	_ =	shalt  }
0x84: {  	_ =	shalt  }
0x85: {  	_ =	shalt  }
0x86: {  	_ =	shalt  }
0x87: {  	_ =	shalt  }
.Lfunc_end0:
.L_simem_size_0:
called_computation_lowered:
.L_overlay_start_0:
0x88: {  	s2 =	sld [smem:$0x3FD9]  }
0x89: {  	s3 =	sld [smem:$0x3FFE];
	_ =	sdelay $0x1  }
0x8a: {  	s1 =	srdreg.scid  }
0x8b: {  	s0 =	sand.u32 $0x1, s1  }
0x8c: {  	s15 =	sshll.u32 s0, $0xA;
	s2 =	sadd.s32 s3, s2  }
0x8d: {  	s2 =	sadd.s32 s2, s15  }
0x8e: {  	[smem:$0x3FBA] =	sst s2  }
0x8f: {  	_ = 	snop  }
0x90: {  	(tm) =	ssettm $0x1  }
0x91: {  	s16 =	sld [smem:$0x3FFB];
	_ =	sdelay $0x3  }
0x92: {  	_ =	strace s16  }
0x93: {  	s2 =	sld [smem:$0x3FFC];
	_ =	sdelay $0x3  }
0x94: {  	_ =	strace s2  }
0x95: {  	s2 =	sld [smem:$0x3FFD];
	_ =	sdelay $0x3  }
0x96: {  	_ =	strace s2  }
0x97: {  	_ =	strace $0x8FFFFFFF  }
0x98: {  	s17 =	sld [smem:$0x3FDB];
	_ =	sdelay $0x1  }
0x99: {  	s18 =	simm.s32 $_scs_section_size  }
0x9a: {  	s4 =	simm.s32 $_size__tile_overlayer_lowered;
	s5 =	simm.s32 $_tile_overlayer_lowered  }
0x9b: {  	s21 =	simm.s32 $0x1BFF;
	s20 =	sshll.u32 s5, $0x1;
	s2 =	sadd.s32 s18, s17  }
0x9c: {  	s6 =	simm.s32 $0x0;
	s19 =	sshll.u32 s4, $0x1;
	s4 =	sadd.s32 s20, s2  }
0x9d: {  	[timem:s6], [sflag:s21] =	dma.local [hbm:s4], s19  }
0x9e: {  	_ =	swait.ge [sflag:s21], s19  }
0x9f: {  	s3 =	ssub.s32 $0x0, s19;
	[sflag:s21] =	ssyncset.done $0x0  }
0xa0: {  	[sflag:s21] =	ssyncadd.s32 s3;
	_ =	sdelay $0x1  }
0xa1: {  	s22 =	simm.s32 $0x1B8B  }
0xa2: {  	_ =	swait.ge [sflag:s22], $0x1  }
0xa3: {  	[sflag:s22] =	ssyncset.done $0x0  }
0xa4: {  	s23 =	sld [smem:$0x3FFE];
	[sflag:s22] =	ssyncadd.s32 $0xFFFFFFFF  }
0xa5: {  	s25 =	simm.s32 $0x1B8E;
	s24 =	sld [smem:$0x0]  }
0xa6: {  	s26 =	simm.s32 $execute0_lowered;
	[smem:$0x3FD2] =	sst s25  }
0xa7: {  	s5 =	sshll.u32 s26, $0x1;
	_ =	strace $0x80000049;
	[dreg:$0x1] =	wrdreg $0xFFFFFFFF  }
0xa8: {  	s28 =	simm.s32 $_size_execute0_lowered;
	s2 =	sadd.s32 s2, s5;
	[dreg:$0x0] =	wrdreg $0x0  }
0xa9: {  	s5 =	sshll.u32 s28, $0x1;
	[dreg:$0x2] =	wrdreg s2  }
0xaa: {  	[dreg:$0x3] =	wrdreg s5  }
0xab: {  	[dreg:$0x4] =	wrdreg $0xC0  }
0xac: {  	_ =	task [dreg:s6], $0x5FFFF  }
0xad: {  	[dreg:$0x1] =	wrdreg $0xFFFFFFFF  }
0xae: {  	[dreg:$0x0] =	wrdreg $0x60  }
0xaf: {  	[dreg:$0x2] =	wrdreg s23  }
0xb0: {  	[dreg:$0x3] =	wrdreg s1  }
0xb1: {  	[dreg:$0x4] =	wrdreg s24  }
0xb2: {  	[dreg:$0x5] =	wrdreg $0x9  }
0xb3: {  	_ =	task.clear_ibuf [dreg:s6], $0x6FFFF;
	_ =	strace $0x90000049  }
0xb4: {  	s29 =	simm.s32 $0x9;
	_ =	strace $0x8000004B  }
0xb5: {  	_ =	swait.ge [sflag:s29], $0x1  }
0xb6: {  	[sflag:s29] =	ssyncadd.s32 $0xFFFFFFFF  }
0xb7: {  	_ =	strace $0x9000004B  }
0xb8: {  	_ =	sfence  }
0xb9: {  	s30 =	sld [smem:$0x0];
	_ =	sdelay $0x2  }
0xba: {  	s31 =	sshll.u32 s1, $0xD;
	s1 =	sshrl.u32 s1, $0x2  }
0xbb: {  	s3 =	sand.u32 $0x4000, s31;
	s1 =	sadd.s32 s1, s30  }
0xbc: {  	s0 =	sor.u32 s3, s0;
	s1 =	sshll.u32 s1, $0x11  }
0xbd: {  	s0 =	sor.u32 s1, s0  }
0xbe: {  	s0 =	sadd.s32 $0x8F2B, s0  }
0xbf: {  	[sflag:s0] =	ssyncadd.remote.s32 $0x1  }
0xc0: {  	_ =	sfence.sel $0xFFFF  }
0xc1: {  	[dreg:$0x0] =	wrdreg $0xFFFFFFFF;
	(pc) =	sbr.abs _section_cstart, $3  }
0xc2: {  	[dreg:$0x1] =	wrdreg $0xFFFFFFFF  }
0xc3: {  	_ =	task.clear_ibuf [dreg:s6], $0x2FFFF;
	_ =	strace $0x9FFFFFFF  }
0xc4: {  	(tm) =	ssettm $0x7FFFFFFF  }
0xc5: {  	_ =	shalt  }
tec
execute0_lowered:
.L_overlay_start_1:
0x0: {  	(tag) =	ssettag $0x1  }
0x1: {  	s2 =	rddreg [dreg:$0x0]  }
0x2: {  	s4 =	rddreg [dreg:$0x1];
	_ =	strace $0x8000004A;
	s0 =	simm.s32 $0x1  }
0x3: {  	s3 =	simm.s32 $0x88;
	v0 =	vimm.s32 $0x0;
	[sflag:s0] =	ssyncpa.u1 $0x0  }
0x4: {  	s1 =	sadd.s32 $0xD45800, s2;
	[tilespmem:s3+$0x30] =	vst v0  }
0x5: {  	s0 =	sadd.s32 $0xF8000, s2;
	s6 =	sadd.s32 $0x110800, s2;
	[tilespmem:s3+$0x20] =	vst v0  }
0x6: {  	s2 =	sadd.s32 $0xDF800, s2;
	s7 =	sand.u32 $0x1, s4;
	s4 =	simm.s32 $0x40;
	[tilespmem:s3+$0x10] =	vst v0  }
.LBB2_1:
0x7: {  	s4 =	sadd.s32 $0x40, s4  }
0x8: {  	[tilespmem:s3+$0x0] =	vst v0;
	s3 =	sadd.s32 $0x40, s3;
	p0 =	slt.u32 s4, $0x5040  }
.Ltmp0:
0x9: {  	(pc) =	sbr.rel @p0 .LBB2_1-.Ltmp0, $4  }
0xa: {  	_ = 	snop  }
0xb: {  	[tilespmem:s3+$0x30] =	vst v0  }
0xc: {  	[tilespmem:s3+$0x20] =	vst v0  }
0xd: {  	[tilespmem:s3+$0x10] =	vst v0  }
0xe: {  	s8 =	stileid.u32  }
0xf: {  	s4 =	smul.u32 $0x4E, s8  }
0x10: {  	s5 =	smin.u32 s8, $0x2  }
0x11: {  	s4 =	sadd.s32 s5, s4  }
0x12: {  	p0 =	slt.u32 s8, $0x2;
	s12 =	smul.u32 $0x140, s4;
	s4 =	simm.s32 $0x62C0  }
0x13: {  	s4 =	simm.s32 @!p0 $0x6180  }
0x14: {  	s25 =	simm.s32 $0x2;
	s4 =	sadd.s32 s4, s12  }
0x15: {  	s28 =	simm.s32 $0x9;
	s9 =	simm.s32 $0xA;
	s14 =	smin.u32 s4, $0x61A80  }
0x16: {  	s30 =	simm.s32 $0xB;
	[dreg:$0x4] =	wrdreg s7;
	s4 =	ssub.s32 s14, s12  }
0x17: {  	s31 =	smul.u32 $0xC350, s7;
	s13 =	simm.s32 $0x1;
	p0 =	sgt.s32 s4, $0x0  }
0x18: {  	s19 =	simm.s32 $0x0;
	s20 =	simm.s32 $0xA808;
	s4 =	simm.s32 @!p0 $0x0  }
0x19: {  	s21 =	simm.s32 $0xFFFFFFFF;
	p1 =	por $0x0, $0x0;
	s26 =	smulhi.u32 $0x66666667, s4  }
0x1a: {  	[tilespmem:s3+$0x0] =	vst v0;
	s23 =	simm.s32 $0x0;
	[sflag:s25] =	ssyncpa.u1 $0x0;
	s18 =	sshll.u32 s8, $0x7  }
0x1b: {  	s0 =	sadd.s32 s31, s0;
	[dreg:$0xa] =	wrdreg s18;
	s3 =	sshrl.u32 s26, $0x7  }
0x1c: {  	v0 =	vimm.s32 $0xFFFFFFFF;
	s17 =	sadd.s32 s31, s2;
	[dreg:$0x9] =	wrdreg s0;
	s29 =	smul.u32 $0x140, s3  }
0x1d: {  	s25 =	simm.s32 $0x0;
	[tilespmem:$0xA108] =	vst v0;
	[sflag:s28] =	ssyncpa.u1 $0x0;
	[dreg:$0x8] =	wrdreg s17  }
.Ltmp1:
0x1e: {  	p0 =	sne.s32 s4, s29;
	s4 =	simm.s32 $0x1;
	(pc) =	sbr.rel .LBB2_3-.Ltmp1, $4  }
0x1f: {  	[sflag:s9] =	ssyncpa.u1 $0x0;
	[dreg:$0x5] =	wrdreg s12;
	s4 =	simm.s32 @!p0 $0x0  }
0x20: {  	[sflag:s30] =	ssyncpa.u1 $0x0;
	[dreg:$0x6] =	wrdreg s14;
	s15 =	sadd.s32 s4, s3  }
0x21: {  	s24 =	smov.u32 s12;
	s22 =	sadd.s32 $0x1, s15;
	[dreg:$0x7] =	wrdreg s15  }
0x22: {  	v0 =	vlaneseq.u32;
	s26 =	simm.s32 $0x0;
	p0 =	por $0x1, $0x1;
	[dreg:$0xb] =	wrdreg s22  }
.LBB2_22:
0x23: {  	s0 =	sshrl.u32 s3, $0x2  }
.LBB2_24:
0x24: {  	s3 =	simm.s32 $0xC  }
0x25: {  	_ =	swait.ge [sflag:s3], s0  }
0x26: {  	s31 =	ssub.s32 $0x0, s0;
	v1 =	vmov s4;
	vm0 =	veq.s32 v0, $0x0;
	[sflag:s3] =	ssyncset.done $0x0  }
0x27: {  	vm15 =	veq.s32 v0, $0x2;
	v1 =	vsel vm0, s2, v1;
	[sflag:s3] =	ssyncadd.s32 s31  }
0x28: {  	v1 =	vsel vm15, s26, v1;
	[sflag:s3] =	ssyncpa.u1 $0x1  }
0x29: {  	[tilespmem:$0xA108] =	vst v1  }
.LBB2_25:
0x2a: {  	s0 =	sadd.s32 $0x140, s24  }
0x2b: {  	s2 =	smov.u32 s12;
	p2 =	slt.s32 s0, s14  }
0x2c: {  	s2 =	smov.u32 @p2 s0;
	p2 =	sne.s32 s25, s22  }
.Ltmp2:
0x2d: {  	_ = 	snop;
	(pc) =	sbr.rel @!p2 .LBB2_26-.Ltmp2, $4  }
0x2e: {  	_ = 	snop  }
0x2f: {  	s26 =	smov.u32 s23;
	s31 =	sadd.s32 $0x1, s25;
	p0 =	por !p0, !p0  }
0x30: {  	s23 =	smov.u32 s24;
	s20 =	sadd.s32 $0x140, s20;
	s21 =	sadd.s32 $0x1, s21  }
0x31: {  	p1 =	por !p1, !p1;
	s25 =	smov.u32 s31;
	s24 =	smov.u32 s2  }
.LBB2_3:
0x32: {  	p2 =	sge.u32 s25, s15  }
0x33: {  	s0 =	smulhi.u32 @!p2 $0xAAAAAAAB, s25  }
0x34: {  	s2 =	smov.u32 s24;
	p3 =	sgt.s32 @!p2 s24, $0x61940  }
0x35: {  	s3 =	sshra.s32 @!p2 s24, $0x1F;
	p3 =	por !p3, p2;
	s0 =	sshrl.u32 @!p2 s0, $0x1  }
0x36: {  	s3 =	sand.u32 @!p2 s3, s24;
	s2 =	simm.s32 @p3 $0x61940;
	s0 =	smul.u32 @!p2 $0x3, s0  }
0x37: {  	s2 =	ssub.s32 @!p2 s2, s3  }
0x38: {  	s2 =	sadd.s32 @!p2 $0xFFF9E6C0, s2;
	s0 =	ssub.s32 @!p2 s25, s0  }
0x39: {  	s3 =	sshll.u32 @!p2 s2, $0x2;
	p3 =	sgt.s32 @!p2 s2, $0x13F;
	s0 =	smul.u32 @!p2 $0x500, s0  }
0x3a: {  	s4 =	sand.u32 @!p2 $0x7, s24;
	s2 =	ssub.s32 @!p2 $0x500, s3;
	p3 =	por !p3, p2  }
0x3b: {  	s3 =	sshrl.u32 @!p2 s24, $0x3;
	s2 =	sshrl.u32 @!p2 s2, $0x2;
	s0 =	sshrl.u32 @!p2 s0, $0x2  }
0x3c: {  	s3 =	sadd.s32 @!p2 s3, s17;
	s2 =	simm.s32 @!p3 $0x0;
	s0 =	sadd.s32 @!p2 $0xA948, s0  }
0x3d: {  	[tilespmem:s0], [sflag:$0xA] =	stream.linear.gather @!p2 [hbm4b:s3+s4], s2, $0x38;
	[tilespmem:$0x1EF88] =	vst v63  }
0x3e: {  	s0 =	sadd.s32 $0xFFFFFFFF, s25  }
0x3f: {  	p2 =	sge.u32 s0, s15  }
.Ltmp3:
0x40: {  	_ = 	snop;
	(pc) =	sbr.rel @p2 .LBB2_7-.Ltmp3, $1  }
0x41: {  	_ =	sdelay $0x3  }
0x42: {  	p2 =	sgt.s32 s23, $0x61940;
	s2 =	smov.u32 s23;
	s3 =	sshra.s32 s23, $0x1F  }
0x43: {  	s2 =	simm.s32 @!p2 $0x61940;
	s3 =	sand.u32 s3, s23  }
0x44: {  	s17 =	smulhi.u32 $0xAAAAAAAB, s21;
	s2 =	ssub.s32 s2, s3  }
0x45: {  	s0 =	sand.u32 $0x1, s0;
	s2 =	sadd.s32 $0xFFF9E6C0, s2  }
0x46: {  	s5 =	simm.s32 $0xA;
	s3 =	sshrl.u32 s17, $0x1;
	s4 =	sshll.u32 s2, $0x2  }
0x47: {  	s7 =	sshrl.u32 s23, $0x3;
	s3 =	smul.u32 $0xFFFFF100, s3;
	s4 =	ssub.s32 $0x500, s4  }
0x48: {  	s18 =	smul.u32 $0x500, s0;
	p2 =	sgt.s32 s2, $0x13F;
	s2 =	sshrl.u32 s4, $0x2  }
0x49: {  	s9 =	sand.u32 $0x7, s23;
	s3 =	sshra.s32 s3, $0x2;
	s2 =	simm.s32 @p2 $0x0  }
0x4a: {  	s0 =	sadd.s32 s3, s20;
	s4 =	sshrl.u32 s18, $0x2;
	_ =	swait.ge [sflag:s5], s2  }
0x4b: {  	s22 =	ssub.s32 $0x0, s2;
	[sflag:s5] =	ssyncset.done $0x0;
	s8 =	rddreg [dreg:$0x9]  }
0x4c: {  	s4 =	sadd.s32 $0xAD08, s4;
	[sflag:s5] =	ssyncadd.s32 s22;
	s3 =	sadd.s32 s7, s8  }
0x4d: {  	[tilespmem:s4], [sflag:$0xB] =	stream.linear.gather [hbm4b:s3+s9], s2, $0x38;
	[tilespmem:$0x1EF88] =	vst v63  }
0x4e: {  	v1 =	vld.msk [tilespmem:s0+$0x0], $0xffff;
	_ =	sdelay $0x4  }
0x4f: {  	v1 =	vshll.u32 v1, $0x4  }
0x50: {  	(v2sf) =	vpush v1, $0x0  }
0x51: {  	(v2sf) =	vpush v1, $0x1  }
0x52: {  	(v2sf) =	vpush v1, $0x2;
	_ =	sdelay $0x3  }
0x53: {  	(v2sf) =	vpush v1, $0x3;
	_ =	sdelay $0x1  }
0x54: {  	(v2sf) =	vpush v1, $0x4  }
0x55: {  	s2 =	simm.s32 $0x1;
	(v2sf) =	vpush v1, $0x5  }
0x56: {  	s2 =	simm.s32 @!p0 $0x0  }
0x57: {  	s2 =	smul.u32 $0x28000, s2;
	(v2sf) =	vpush v1, $0x6;
	_ =	sdelay $0x1  }
0x58: {  	s2 =	sshrl.u32 s2, $0x2  }
0x59: {  	s28 =	sadd.s32 $0xB708, s2  }
0x5a: {  	s12 =	sadd.s32 $0xFFFFF880, s28;
	s17 =	sadd.s32 $0xFFFFF900, s28;
	s10 =	spop (v2sf);
	(v2sf) =	vpush v1, $0x7  }
0x5b: {  	s18 =	sadd.s32 $0xFFFFF980, s28;
	s11 =	sand.u32 $0x1FFFFFF0, s10;
	s14 =	spop (v2sf)  }
0x5c: {  	(v2sf) =	vpush v1, $0x8;
	s2 =	sadd.s32 s6, s11;
	s15 =	sand.u32 $0x1FFFFFF0, s14;
	s16 =	spop (v2sf)  }
0x5d: {  	[tilespmem:s12], [sflag:$0x9] =	stream.linear.gather [hbm4b:s2+s19], $0x40, $0x38;
	[tilespmem:$0x1EF88] =	vst v63  }
0x5e: {  	s5 =	sadd.s32 $0xFFFFFA00, s28;
	s2 =	sadd.s32 s6, s15;
	s3 =	sand.u32 $0x1FFFFFF0, s16  }
0x5f: {  	(v2sf) =	vpush v1, $0x9;
	[tilespmem:s17], [sflag:$0x9] =	stream.linear.gather [hbm4b:s2+s19], $0x40, $0x38;
	[tilespmem:$0x1EF88] =	vst v63  }
0x60: {  	s7 =	sadd.s32 $0xFFFFFA80, s28;
	s22 =	spop (v2sf);
	s3 =	sadd.s32 s6, s3  }
0x61: {  	(v2sf) =	vpush v1, $0xA;
	[tilespmem:s18], [sflag:$0x9] =	stream.linear.gather [hbm4b:s3+s19], $0x40, $0x38;
	[tilespmem:$0x1EF88] =	vst v63  }
0x62: {  	s11 =	sadd.s32 $0xFFFFFB00, s28;
	s4 =	spop (v2sf);
	(v2sf) =	vpush v1, $0xB;
	s3 =	sand.u32 $0x1FFFFFF0, s22  }
0x63: {  	s8 =	spop (v2sf);
	s2 =	sadd.s32 s6, s3;
	s3 =	sand.u32 $0x1FFFFFF0, s4  }
0x64: {  	(v2sf) =	vpush v1, $0xC;
	[tilespmem:s5], [sflag:$0x9] =	stream.linear.gather [hbm4b:s2+s19], $0x40, $0x38;
	[tilespmem:$0x1EF88] =	vst v63  }
0x65: {  	s9 =	sand.u32 $0x1FFFFFF0, s8;
	s10 =	spop (v2sf);
	s3 =	sadd.s32 s6, s3  }
0x66: {  	(v2sf) =	vpush v1, $0xD;
	[tilespmem:s7], [sflag:$0x9] =	stream.linear.gather [hbm4b:s3+s19], $0x40, $0x38;
	[tilespmem:$0x1EF88] =	vst v63  }
0x67: {  	s12 =	sadd.s32 $0xFFFFFB80, s28;
	s2 =	sadd.s32 s6, s9;
	s3 =	sand.u32 $0x1FFFFFF0, s10  }
0x68: {  	[tilespmem:s11], [sflag:$0x9] =	stream.linear.gather [hbm4b:s2+s19], $0x40, $0x38;
	[tilespmem:$0x1EF88] =	vst v63  }
0x69: {  	s17 =	sadd.s32 $0xFFFFFC00, s28;
	s3 =	sadd.s32 s6, s3;
	s14 =	spop (v2sf)  }
0x6a: {  	[tilespmem:s12], [sflag:$0x9] =	stream.linear.gather [hbm4b:s3+s19], $0x40, $0x38;
	(v2sf) =	vpush v1, $0xE;
	[tilespmem:$0x1EF88] =	vst v63  }
0x6b: {  	s18 =	sadd.s32 $0xFFFFFC80, s28;
	s15 =	sand.u32 $0x1FFFFFF0, s14;
	s16 =	spop (v2sf)  }
0x6c: {  	s5 =	sadd.s32 $0xFFFFFD00, s28;
	(v2sf) =	vpush v1, $0xF;
	s2 =	sadd.s32 s6, s15;
	s3 =	sand.u32 $0x1FFFFFF0, s16  }
0x6d: {  	[tilespmem:s17], [sflag:$0x9] =	stream.linear.gather [hbm4b:s2+s19], $0x40, $0x38;
	[tilespmem:$0x1EF88] =	vst v63  }
0x6e: {  	s7 =	sadd.s32 $0xFFFFFD80, s28;
	s22 =	spop (v2sf);
	s3 =	sadd.s32 s6, s3  }
0x6f: {  	[tilespmem:s18], [sflag:$0x9] =	stream.linear.gather [hbm4b:s3+s19], $0x40, $0x38;
	[tilespmem:$0x1EF88] =	vst v63  }
0x70: {  	s11 =	sadd.s32 $0xFFFFFE00, s28;
	s4 =	spop (v2sf);
	s3 =	sand.u32 $0x1FFFFFF0, s22  }
0x71: {  	s8 =	spop (v2sf);
	s2 =	sadd.s32 s6, s3;
	s3 =	sand.u32 $0x1FFFFFF0, s4  }
0x72: {  	[tilespmem:s5], [sflag:$0x9] =	stream.linear.gather [hbm4b:s2+s19], $0x40, $0x38;
	[tilespmem:$0x1EF88] =	vst v63  }
0x73: {  	s9 =	sand.u32 $0x1FFFFFF0, s8;
	s10 =	spop (v2sf);
	s3 =	sadd.s32 s6, s3  }
0x74: {  	[tilespmem:s7], [sflag:$0x9] =	stream.linear.gather [hbm4b:s3+s19], $0x40, $0x38;
	[tilespmem:$0x1EF88] =	vst v63  }
0x75: {  	s14 =	spop (v2sf);
	s2 =	sadd.s32 s6, s9;
	s3 =	sand.u32 $0x1FFFFFF0, s10  }
0x76: {  	[tilespmem:s11], [sflag:$0x9] =	stream.linear.gather [hbm4b:s2+s19], $0x40, $0x38;
	[tilespmem:$0x1EF88] =	vst v63  }
0x77: {  	s12 =	sadd.s32 $0xFFFFFE80, s28;
	s15 =	sand.u32 $0x1FFFFFF0, s14;
	s3 =	sadd.s32 s6, s3  }
0x78: {  	[tilespmem:s12], [sflag:$0x9] =	stream.linear.gather [hbm4b:s3+s19], $0x40, $0x38;
	[tilespmem:$0x1EF88] =	vst v63  }
0x79: {  	s17 =	sadd.s32 $0xFFFFFF00, s28;
	s2 =	sadd.s32 s6, s15;
	s16 =	spop (v2sf)  }
0x7a: {  	[tilespmem:s17], [sflag:$0x9] =	stream.linear.gather [hbm4b:s2+s19], $0x40, $0x38;
	[tilespmem:$0x1EF88] =	vst v63  }
0x7b: {  	s29 =	simm.s32 $0x0;
	s3 =	sand.u32 $0x1FFFFFF0, s16;
	s18 =	spop (v2sf)  }
0x7c: {  	s22 =	sadd.s32 $0xFFFFFF80, s28;
	s3 =	sadd.s32 s6, s3;
	s2 =	sand.u32 $0x1FFFFFF0, s18  }
0x7d: {  	[tilespmem:s22], [sflag:$0x9] =	stream.linear.gather [hbm4b:s3+s19], $0x40, $0x38;
	[tilespmem:$0x1EF88] =	vst v63  }
0x7e: {  	s31 =	sadd.s32 $0x10, s0;
	s30 =	sadd.s32 $0x800, s28;
	s2 =	sadd.s32 s6, s2  }
.LBB2_5:
0x7f: {  	[tilespmem:s28], [sflag:$0x9] =	stream.linear.gather [hbm4b:s2+s19], $0x40, $0x38;
	[tilespmem:$0x1EF88] =	vst v63  }
0x80: {  	s29 =	sadd.s32 $0x10, s29;
	s28 =	smov.u32 s30  }
0x81: {  	p2 =	slt.u32 s29, $0x130;
	v1 =	vld.msk [tilespmem:s31+$0x0], $0xffff;
	_ =	sdelay $0x4  }
0x82: {  	v1 =	vshll.u32 v1, $0x4  }
0x83: {  	(v2sf) =	vpush v1, $0x0  }
0x84: {  	(v2sf) =	vpush v1, $0x1  }
0x85: {  	(v2sf) =	vpush v1, $0x2;
	_ =	sdelay $0x1  }
0x86: {  	(v2sf) =	vpush v1, $0x3;
	_ =	sdelay $0x1  }
0x87: {  	(v2sf) =	vpush v1, $0x4;
	_ =	sdelay $0x1  }
0x88: {  	(v2sf) =	vpush v1, $0x5;
	_ =	sdelay $0x1  }
0x89: {  	(v2sf) =	vpush v1, $0x6  }
0x8a: {  	s4 =	sadd.s32 $0xFFFFFE80, s30;
	s0 =	sadd.s32 $0xFFFFFF00, s30  }
0x8b: {  	s3 =	sadd.s32 $0xFFFFFD00, s30;
	s2 =	sadd.s32 $0xFFFFFD80, s30;
	s5 =	sadd.s32 $0xFFFFFE00, s30;
	(v2sf) =	vpush v1, $0x7  }
0x8c: {  	s10 =	sadd.s32 $0xFFFFFB80, s30;
	s9 =	sadd.s32 $0xFFFFFC00, s30;
	s16 =	sadd.s32 $0xFFFFFC80, s30  }
0x8d: {  	s11 =	sadd.s32 $0xFFFFFA00, s30;
	s12 =	sadd.s32 $0xFFFFFA80, s30;
	s15 =	sadd.s32 $0xFFFFFB00, s30;
	(v2sf) =	vpush v1, $0x8  }
0x8e: {  	s18 =	sadd.s32 $0xFFFFF900, s30;
	s7 =	sadd.s32 $0xFFFFF980, s30;
	s22 =	spop (v2sf)  }
0x8f: {  	s8 =	sadd.s32 $0xFFFFF880, s30;
	s22 =	sand.u32 $0x1FFFFFF0, s22;
	s14 =	spop (v2sf);
	(v2sf) =	vpush v1, $0x9  }
0x90: {  	s22 =	sadd.s32 s6, s22;
	s14 =	sand.u32 $0x1FFFFFF0, s14;
	s17 =	spop (v2sf)  }
0x91: {  	[tilespmem:s8], [sflag:$0x9] =	stream.linear.gather [hbm4b:s22+s19], $0x40, $0x38;
	(v2sf) =	vpush v1, $0xA;
	[tilespmem:$0x1EF88] =	vst v63  }
0x92: {  	s8 =	sadd.s32 s6, s14;
	s14 =	sand.u32 $0x1FFFFFF0, s17;
	s17 =	spop (v2sf)  }
0x93: {  	[tilespmem:s18], [sflag:$0x9] =	stream.linear.gather [hbm4b:s8+s19], $0x40, $0x38;
	(v2sf) =	vpush v1, $0xB;
	[tilespmem:$0x1EF88] =	vst v63  }
0x94: {  	s8 =	sadd.s32 s6, s14;
	s14 =	sand.u32 $0x1FFFFFF0, s17;
	s17 =	spop (v2sf)  }
0x95: {  	[tilespmem:s7], [sflag:$0x9] =	stream.linear.gather [hbm4b:s8+s19], $0x40, $0x38;
	(v2sf) =	vpush v1, $0xC;
	[tilespmem:$0x1EF88] =	vst v63  }
0x96: {  	s7 =	sadd.s32 s6, s14;
	s8 =	sand.u32 $0x1FFFFFF0, s17;
	s14 =	spop (v2sf)  }
0x97: {  	[tilespmem:s11], [sflag:$0x9] =	stream.linear.gather [hbm4b:s7+s19], $0x40, $0x38;
	(v2sf) =	vpush v1, $0xD;
	[tilespmem:$0x1EF88] =	vst v63  }
0x98: {  	s7 =	sadd.s32 s6, s8;
	s8 =	sand.u32 $0x1FFFFFF0, s14;
	s11 =	spop (v2sf)  }
0x99: {  	[tilespmem:s12], [sflag:$0x9] =	stream.linear.gather [hbm4b:s7+s19], $0x40, $0x38;
	(v2sf) =	vpush v1, $0xE;
	[tilespmem:$0x1EF88] =	vst v63  }
0x9a: {  	s7 =	sadd.s32 s6, s8;
	s8 =	sand.u32 $0x1FFFFFF0, s11;
	s11 =	spop (v2sf)  }
0x9b: {  	[tilespmem:s15], [sflag:$0x9] =	stream.linear.gather [hbm4b:s7+s19], $0x40, $0x38;
	(v2sf) =	vpush v1, $0xF;
	[tilespmem:$0x1EF88] =	vst v63  }
0x9c: {  	s7 =	sadd.s32 s6, s8;
	s8 =	sand.u32 $0x1FFFFFF0, s11;
	s11 =	spop (v2sf)  }
0x9d: {  	[tilespmem:s10], [sflag:$0x9] =	stream.linear.gather [hbm4b:s7+s19], $0x40, $0x38;
	[tilespmem:$0x1EF88] =	vst v63  }
0x9e: {  	s7 =	sadd.s32 s6, s8;
	s8 =	sand.u32 $0x1FFFFFF0, s11;
	s10 =	spop (v2sf)  }
0x9f: {  	[tilespmem:s9], [sflag:$0x9] =	stream.linear.gather [hbm4b:s7+s19], $0x40, $0x38;
	[tilespmem:$0x1EF88] =	vst v63  }
0xa0: {  	s7 =	sadd.s32 s6, s8;
	s8 =	sand.u32 $0x1FFFFFF0, s10;
	s9 =	spop (v2sf)  }
0xa1: {  	[tilespmem:s16], [sflag:$0x9] =	stream.linear.gather [hbm4b:s7+s19], $0x40, $0x38;
	[tilespmem:$0x1EF88] =	vst v63  }
0xa2: {  	s7 =	sadd.s32 s6, s8;
	s8 =	sand.u32 $0x1FFFFFF0, s9;
	s9 =	spop (v2sf)  }
0xa3: {  	[tilespmem:s3], [sflag:$0x9] =	stream.linear.gather [hbm4b:s7+s19], $0x40, $0x38;
	[tilespmem:$0x1EF88] =	vst v63  }
0xa4: {  	s3 =	sadd.s32 s6, s8;
	s7 =	sand.u32 $0x1FFFFFF0, s9;
	s8 =	spop (v2sf)  }
0xa5: {  	[tilespmem:s2], [sflag:$0x9] =	stream.linear.gather [hbm4b:s3+s19], $0x40, $0x38;
	[tilespmem:$0x1EF88] =	vst v63  }
0xa6: {  	s2 =	sadd.s32 s6, s7;
	s3 =	sand.u32 $0x1FFFFFF0, s8;
	s7 =	spop (v2sf)  }
0xa7: {  	[tilespmem:s5], [sflag:$0x9] =	stream.linear.gather [hbm4b:s2+s19], $0x40, $0x38;
	[tilespmem:$0x1EF88] =	vst v63  }
0xa8: {  	s2 =	sadd.s32 s6, s3;
	s3 =	sand.u32 $0x1FFFFFF0, s7;
	s5 =	spop (v2sf)  }
0xa9: {  	[tilespmem:s4], [sflag:$0x9] =	stream.linear.gather [hbm4b:s2+s19], $0x40, $0x38;
	[tilespmem:$0x1EF88] =	vst v63  }
0xaa: {  	s2 =	sadd.s32 s6, s3  }
.Ltmp4:
0xab: {  	s3 =	sand.u32 $0x1FFFFFF0, s5;
	s4 =	spop (v2sf);
	(pc) =	sbr.rel @p2 .LBB2_5-.Ltmp4, $4  }
0xac: {  	[tilespmem:s0], [sflag:$0x9] =	stream.linear.gather [hbm4b:s2+s19], $0x40, $0x38;
	[tilespmem:$0x1EF88] =	vst v63  }
0xad: {  	s0 =	sadd.s32 s6, s3;
	s2 =	sadd.s32 $0xFFFFFF80, s30;
	s3 =	sand.u32 $0x1FFFFFF0, s4  }
0xae: {  	[tilespmem:s2], [sflag:$0x9] =	stream.linear.gather [hbm4b:s0+s19], $0x40, $0x38;
	[tilespmem:$0x1EF88] =	vst v63  }
0xaf: {  	s31 =	sadd.s32 $0x10, s31;
	s30 =	sadd.s32 $0x800, s30;
	s2 =	sadd.s32 s6, s3  }
0xb0: {  	[tilespmem:s28], [sflag:$0x9] =	stream.linear.gather [hbm4b:s2+s19], $0x40, $0x38;
	[tilespmem:$0x1EF88] =	vst v63  }
0xb1: {  	s12 =	rddreg [dreg:$0x5]  }
0xb2: {  	s14 =	rddreg [dreg:$0x6]  }
0xb3: {  	s15 =	rddreg [dreg:$0x7]  }
0xb4: {  	s17 =	rddreg [dreg:$0x8]  }
0xb5: {  	s18 =	rddreg [dreg:$0xa]  }
0xb6: {  	s22 =	rddreg [dreg:$0xb]  }
.LBB2_7:
0xb7: {  	p2 =	slt.u32 s25, $0x2  }
.Ltmp5:
0xb8: {  	_ = 	snop;
	(pc) =	sbr.rel @p2 .LBB2_25-.Ltmp5, $1  }
0xb9: {  	_ =	sdelay $0x3  }
0xba: {  	p2 =	sgt.s32 s26, $0x61940;
	s0 =	smov.u32 s26;
	s2 =	sshra.s32 s26, $0x1F  }
0xbb: {  	s0 =	simm.s32 @!p2 $0x61940;
	s2 =	sand.u32 s2, s26  }
0xbc: {  	s0 =	ssub.s32 s0, s2  }
0xbd: {  	s0 =	sadd.s32 $0xFFF9E6C0, s0  }
0xbe: {  	s3 =	simm.s32 $0x9;
	s29 =	sshll.u32 s0, $0x2  }
0xbf: {  	_ =	swait.ge [sflag:s3], $0x5000;
	s2 =	ssub.s32 $0x500, s29  }
0xc0: {  	[sflag:s3] =	ssyncset.done $0x0;
	p2 =	sgt.s32 s0, $0x13F;
	s0 =	sshrl.u32 s2, $0x2  }
0xc1: {  	s30 =	simm.s32 $0xB;
	[sflag:s3] =	ssyncadd.s32 $0xFFFFB000;
	s0 =	simm.s32 @p2 $0x0  }
0xc2: {  	_ =	swait.ge [sflag:s30], s0  }
0xc3: {  	s0 =	ssub.s32 $0x0, s0;
	[sflag:s30] =	ssyncset.done $0x0  }
0xc4: {  	[sflag:s30] =	ssyncadd.s32 s0  }
0xc5: {  	v1 =	vld [tilespmem:$0xA108];
	_ =	sdelay $0x4  }
0xc6: {  	(v2sf) =	vpush v1, $0x0  }
0xc7: {  	(v2sf) =	vpush v1, $0x1  }
0xc8: {  	(v2sf) =	vpush v1, $0x2;
	_ =	sdelay $0x3  }
0xc9: {  	s0 =	sadd.s32 $0x140, s26  }
0xca: {  	s4 =	ssub.s32 $0xC3500, s26;
	p2 =	slt.s32 s14, s0  }
0xcb: {  	s0 =	smov.u32 @p2 s14;
	p2 =	sgt.s32 s4, $0x0  }
0xcc: {  	s0 =	ssub.s32 s0, s26;
	s4 =	simm.s32 @!p2 $0x0  }
0xcd: {  	p2 =	slt.s32 s4, s0  }
0xce: {  	s0 =	smov.u32 @p2 s4  }
0xcf: {  	s2 =	simm.s32 $0x1;
	p2 =	slt.s32 s0, $0x1  }
.Ltmp6:
0xd0: {  	s2 =	simm.s32 @!p1 $0x0;
	(pc) =	sbr.rel @p2 .LBB2_12-.Ltmp6, $4  }
0xd1: {  	s7 =	smul.u32 $0x500, s2  }
0xd2: {  	s3 =	spop (v2sf)  }
0xd3: {  	s31 =	sshrl.u32 s7, $0x2;
	s5 =	spop (v2sf)  }
0xd4: {  	s28 =	sadd.s32 $0xAD08, s31;
	s26 =	spop (v2sf)  }
0xd5: {  	s4 =	smin.u32 s0, $0x10  }
0xd6: {  	v1 =	vmov s4  }
0xd7: {  	p3 =	sgt.s32 s0, $0x10;
	vm1 =	vgt.u32 v1, v0  }
.Ltmp7:
0xd8: {  	_ = 	snop;
	(pc) =	sbr.rel @!p3 .LBB2_11-.Ltmp7, $2  }
0xd9: {  	_ =	sdelay $0x2  }
0xda: {  	s9 =	simm.s32 $0x10;
	s10 =	sadd.s32 $0xFFFFFFF0, s0;
	s4 =	smov.u32 s28;
	vm0 =	vmmov vm1  }
.LBB2_10:
0xdb: {  	s7 =	smin.u32 s10, $0x10;
	s9 =	sadd.s32 $0x10, s9;
	v1 =	vld.msk [tilespmem:s4+$0x0 ss:$0x1], vm1  }
0xdc: {  	v2 =	vmov s7;
	p3 =	slt.s32 s9, s0  }
0xdd: {  	vm1 =	vgt.u32 v2, v0  }
.Ltmp8:
0xde: {  	(pc) =	sbr.rel @p3 .LBB2_10-.Ltmp8, $3  }
0xdf: {  	_ =	sdelay $0x1  }
0xe0: {  	v1 =	vshll.u32 v1, $0x4  }
0xe1: {  	s10 =	sadd.s32 $0xFFFFFFF0, s10;
	[tilespmem:s4+$0x0] =	vst.msk vm0, v1;
	s4 =	sadd.s32 $0x10, s4;
	vm0 =	vmmov vm1  }
.LBB2_11:
0xe2: {  	_ =	sdelay $0x4  }
0xe3: {  	v1 =	vld.msk [tilespmem:s4+$0x0 ss:$0x1], vm1;
	_ =	sdelay $0x4  }
0xe4: {  	v1 =	vshll.u32 v1, $0x4  }
0xe5: {  	[tilespmem:s4+$0x0] =	vst.msk vm0, v1  }
.LBB2_12:
0xe6: {  	s4 =	sand.u32 $0x1, s25  }
0xe7: {  	s4 =	smul.u32 $0x140, s4  }
0xe8: {  	p3 =	sne.s32 s5, $0xFFFFFFFF  }
0xe9: {  	v1 =	vld.msk @!p3 [tilespmem:s4+$0xAD08], $0x1;
	_ =	sdelay $0x4  }
0xea: {  	(v2sf) =	vpush @!p3 v1, $0x0;
	_ =	sdelay $0xc  }
.Ltmp9:
0xeb: {  	_ = 	snop;
	(pc) =	sbr.rel @p2 .LBB2_23-.Ltmp9, $4  }
0xec: {  	_ = 	snop  }
0xed: {  	s29 =	spop @!p3 (v2sf)  }
0xee: {  	s31 =	simm.s32 $0xC;
	s26 =	simm.s32 @!p3 $0x0;
	s4 =	smov.u32 s29  }
0xef: {  	[sflag:s31] =	ssyncpa.u1 $0x0;
	s29 =	smov.u32 @p3 s3;
	s4 =	smov.u32 @p3 s5  }
0xf0: {  	v1 =	vld.msk [tilespmem:s28+$0x0], $0x1;
	_ =	sdelay $0x4  }
0xf1: {  	(v2sf) =	vpush v1, $0x0;
	_ =	sdelay $0xe  }
0xf2: {  	s2 =	smul.u32 $0x28000, s2;
	s5 =	spop (v2sf)  }
0xf3: {  	s31 =	ssub.s32 $0x0, s0;
	p2 =	seq.s32 s29, s5  }
0xf4: {  	s3 =	smov.u32 s29;
	s2 =	sshrl.u32 s2, $0x2;
	p3 =	sgt.s32 @!p2 s29, $0x0  }
0xf5: {  	s30 =	sadd.s32 $0xAFA8, s2;
	s2 =	sadd.s32 $0x1, s31;
	p3 =	por !p3, p2  }
0xf6: {  	s3 =	simm.s32 @p3 $0x0;
	p3 =	seq.s32 s2, $0x0  }
.Ltmp10:
0xf7: {  	_ = 	snop;
	(pc) =	sbr.rel @p3 .LBB2_15-.Ltmp10, $4  }
0xf8: {  	_ = 	snop  }
0xf9: {  	s0 =	simm.s32 $0x0;
	s9 =	simm.s32 @!p2 $0x1;
	s3 =	smin.u32 @!p2 s3, $0xC34F8  }
0xfa: {  	s10 =	simm.s32 @!p2 $0x50C8;
	s9 =	smov.u32 @p2 s0;
	s7 =	sand.u32 @!p2 $0xFFFF8, s3  }
0xfb: {  	s16 =	sand.u32 @!p2 $0x7, s3;
	s3 =	sadd.s32 $0x1, s28;
	s11 =	sadd.s32 @!p2 s1, s7  }
.LBB2_14:
0xfc: {  	s7 =	smov.u32 s9  }
0xfd: {  	[tilespmem:s10], [sflag:$0x2] =	stream.linear.gather @!p2 [hbm4b:s11+s16], $0x40, $0x38;
	[tilespmem:$0x1EF88] =	vst v63  }
0xfe: {  	s2 =	sadd.s32 $0x1, s2;
	s8 =	smov.u32 s5;
	v1 =	vld.msk [tilespmem:s3+$0x0], $0x1  }
0xff: {  	p3 =	seq.s32 s2, $0x0;
	_ =	sdelay $0x3  }
0x100: {  	(v2sf) =	vpush v1, $0x0;
	_ =	sdelay $0xe  }
0x101: {  	s5 =	spop (v2sf)  }
0x102: {  	p2 =	seq.s32 s8, s5  }
0x103: {  	p4 =	sgt.s32 @!p2 s8, $0x0;
	s10 =	sshll.u32 @!p2 s9, $0x8;
	s9 =	sadd.s32 @!p2 $0x1, s9  }
.Ltmp11:
0x104: {  	p4 =	por !p4, p2;
	s10 =	sshra.s32 @!p2 s10, $0x2;
	(pc) =	sbr.rel @!p3 .LBB2_14-.Ltmp11, $4  }
0x105: {  	s9 =	smov.u32 @p2 s7;
	s8 =	simm.s32 @p4 $0x0;
	s10 =	sadd.s32 @!p2 $0x50C8, s10  }
0x106: {  	s7 =	smin.u32 @!p2 s8, $0xC34F8  }
0x107: {  	s8 =	sand.u32 @!p2 $0xFFFF8, s7;
	s16 =	sand.u32 @!p2 $0x7, s7  }
0x108: {  	s3 =	sadd.s32 $0x1, s3;
	s11 =	sadd.s32 @!p2 s1, s8  }
.LBB2_15:
0x109: {  	[tilespmem:s10], [sflag:$0x2] =	stream.linear.gather @!p2 [hbm4b:s11+s16], $0x40, $0x38;
	[tilespmem:$0x1EF88] =	vst v63  }
.Ltmp12:
0x10a: {  	s2 =	sshll.u32 s9, $0x6;
	(pc) =	sbr.rel .LBB2_16-.Ltmp12, $4  }
0x10b: {  	s3 =	simm.s32 $0x2;
	s2 =	sand.u32 $0x3FFFFFC0, s2  }
0x10c: {  	_ =	swait.ge [sflag:s3], s2  }
0x10d: {  	s2 =	ssub.s32 $0x0, s2;
	[sflag:s3] =	ssyncset.done $0x0  }
0x10e: {  	[sflag:s3] =	ssyncadd.s32 s2;
	s3 =	simm.s32 $0x0  }
.LBB2_17:
0x10f: {  	v1 =	vld [tilespmem:s30+$0xFFFFFFE0];
	_ =	sdelay $0x4  }
0x110: {  	[tilespmem:s5+$0x88] =	vst.add.f32.msk $0xffff, v1  }
0x111: {  	v1 =	vld [tilespmem:s30+$0xFFFFFFF0];
	_ =	sdelay $0x4  }
0x112: {  	[tilespmem:s5+$0x98] =	vst.add.f32.msk $0xffff, v1  }
0x113: {  	v1 =	vld [tilespmem:s30+$0x0];
	_ =	sdelay $0x4  }
0x114: {  	[tilespmem:s5+$0xA8] =	vst.add.f32.msk $0xffff, v1  }
0x115: {  	v1 =	vld [tilespmem:s30+$0x10];
	_ =	sdelay $0x4  }
0x116: {  	[tilespmem:s5+$0xB8] =	vst.add.f32.msk $0xffff, v1  }
.LBB2_21:
0x117: {  	s31 =	sadd.s32 $0x1, s31  }
0x118: {  	p2 =	seq.s32 s31, $0x0  }
.Ltmp13:
0x119: {  	_ = 	snop;
	(pc) =	sbr.rel @p2 .LBB2_22-.Ltmp13, $2  }
0x11a: {  	_ =	sdelay $0x2  }
0x11b: {  	s30 =	sadd.s32 $0x80, s30;
	s28 =	sadd.s32 $0x1, s28;
	s29 =	smov.u32 s2  }
.LBB2_16:
0x11c: {  	v1 =	vld.msk [tilespmem:s28+$0x0], $0x1;
	_ =	sdelay $0x4  }
0x11d: {  	(v2sf) =	vpush v1, $0x0;
	_ =	sdelay $0xe  }
0x11e: {  	s2 =	spop (v2sf)  }
0x11f: {  	p2 =	sne.s32 s29, s2  }
.Ltmp14:
0x120: {  	_ = 	snop;
	(pc) =	sbr.rel @!p2 .LBB2_17-.Ltmp14, $3  }
0x121: {  	_ =	sdelay $0x1  }
0x122: {  	s5 =	sshll.u32 s26, $0x8  }
0x123: {  	s5 =	sshra.s32 s5, $0x2  }
0x124: {  	p2 =	seq.s32 s29, s4  }
.Ltmp15:
0x125: {  	_ = 	snop;
	(pc) =	sbr.rel @!p2 .LBB2_19-.Ltmp15, $1  }
0x126: {  	_ =	sdelay $0x3  }
.Ltmp16:
0x127: {  	s5 =	sadd.s32 $0x88, s5;
	(pc) =	sbr.rel .LBB2_20-.Ltmp16, $4  }
0x128: {  	[spmem:s18] =	stream.linear.scatter [tilespmem:s5], [sflag:$0x1], $0x40, $0x38;
	[tilespmem:$0x1EF88] =	vst v63  }
0x129: {  	_ =	swait.ge [sflag:s13], $0x40  }
0x12a: {  	[sflag:s13] =	ssyncset.done $0x0  }
0x12b: {  	[sflag:s13] =	ssyncadd.s32 $0xFFFFFFC0  }
.LBB2_19:
0x12c: {  	s7 =	sshll.u32 s0, $0x8  }
0x12d: {  	s7 =	sshra.s32 s7, $0x2  }
0x12e: {  	v1 =	vld [tilespmem:s7+$0x50C8];
	_ =	sdelay $0x4  }
0x12f: {  	[tilespmem:s5+$0x88] =	vst.add.f32.msk $0xffff, v1  }
0x130: {  	v1 =	vld [tilespmem:s7+$0x50D8];
	_ =	sdelay $0x4  }
0x131: {  	[tilespmem:s5+$0x98] =	vst.add.f32.msk $0xffff, v1  }
0x132: {  	v1 =	vld [tilespmem:s7+$0x50E8];
	_ =	sdelay $0x4  }
0x133: {  	[tilespmem:s5+$0xA8] =	vst.add.f32.msk $0xffff, v1  }
0x134: {  	v1 =	vld [tilespmem:s7+$0x50F8];
	_ =	sdelay $0x2  }
0x135: {  	p2 =	sgt.u32 s29, $0xC34F8  }
0x136: {  	s7 =	sand.u32 @!p2 $0xFFFF8, s29  }
0x137: {  	s8 =	sadd.s32 $0x88, s5;
	[tilespmem:s5+$0xB8] =	vst.add.f32.msk $0xffff, v1;
	s5 =	sadd.s32 @!p2 s1, s7;
	s7 =	sand.u32 @!p2 $0x7, s29  }
0x138: {  	[hbm4b:s5+s7] =	stream.linear.scatter @!p2 [tilespmem:s8], [sflag:$0xC], $0x40, $0x38;
	[tilespmem:$0x1EF88] =	vst v63  }
0x139: {  	s5 =	simm.s32 $0x0  }
0x13a: {  	s5 =	simm.s32 @!p2 $0x100  }
0x13b: {  	s3 =	sadd.s32 s5, s3  }
.LBB2_20:
0x13c: {  	s5 =	sadd.s32 $0x1, s26  }
0x13d: {  	s7 =	smulhi.u32 $0xCCCCCCCD, s5;
	_ =	sdelay $0x1  }
0x13e: {  	v1 =	vld [tilespmem:s30+$0xFFFFFFE0];
	s7 =	sshrl.u32 s7, $0x8  }
0x13f: {  	s7 =	smul.u32 $0x140, s7;
	_ =	sdelay $0x1  }
0x140: {  	s26 =	ssub.s32 s5, s7  }
0x141: {  	s5 =	sshll.u32 s26, $0x6  }
0x142: {  	[tilespmem:s5+$0x88] =	vst v1  }
0x143: {  	v1 =	vld [tilespmem:s30+$0xFFFFFFF0];
	_ =	sdelay $0x4  }
0x144: {  	[tilespmem:s5+$0x98] =	vst v1  }
0x145: {  	v1 =	vld [tilespmem:s30+$0x0];
	_ =	sdelay $0x4  }
0x146: {  	[tilespmem:s5+$0xA8] =	vst v1  }
0x147: {  	v1 =	vld [tilespmem:s30+$0x10]  }
.Ltmp17:
0x148: {  	_ = 	snop;
	(pc) =	sbr.rel .LBB2_21-.Ltmp17, $2  }
0x149: {  	_ =	sdelay $0x2  }
0x14a: {  	s0 =	sadd.s32 $0x1, s0;
	[tilespmem:s5+$0xB8] =	vst v1  }
.LBB2_23:
.Ltmp18:
0x14b: {  	(pc) =	sbr.rel .LBB2_24-.Ltmp18, $4  }
0x14c: {  	_ = 	snop  }
0x14d: {  	s0 =	simm.s32 $0x2  }
0x14e: {  	_ =	swait.ge [sflag:s0], $0x0  }
0x14f: {  	s2 =	smov.u32 s29;
	[sflag:s0] =	ssyncset.done $0x0;
	s0 =	simm.s32 $0x0  }
.LBB2_26:
0x150: {  	_ =	sfence.sel $0x180000  }
0x151: {  	s0 =	simm.s32 $0x9;
	[bflag:$0x0] =	sbarrier.arrive $0xFFFF  }
0x152: {  	s24 =	simm.s32 $0xA;
	[sflag:s0] =	ssyncpa.u1 $0x1  }
0x153: {  	s25 =	simm.s32 $0xB;
	[sflag:s24] =	ssyncpa.u1 $0x1  }
0x154: {  	s26 =	simm.s32 $0x2;
	[sflag:s25] =	ssyncpa.u1 $0x1  }
0x155: {  	[sflag:s26] =	ssyncpa.u1 $0x1  }
0x156: {  	v0 =	vld [tilespmem:$0xA108];
	_ =	sdelay $0x4  }
0x157: {  	(v2sf) =	vpush v0, $0x0  }
0x158: {  	(v2sf) =	vpush v0, $0x1;
	_ =	sdelay $0x1  }
0x159: {  	(v2sf) =	vpush v0, $0x2;
	_ =	sdelay $0xb  }
0x15a: {  	s0 =	spop (v2sf)  }
0x15b: {  	s2 =	spop (v2sf)  }
0x15c: {  	s3 =	smov.u32 s0;
	p0 =	sne.s32 s0, s2  }
0x15d: {  	s4 =	spop (v2sf);
	s3 =	simm.s32 @!p0 $0xFFFFFFFF  }
0x15e: {  	v2 =	vimm.s32 $0x1;
	v3 =	vlaneseq.u32;
	p0 =	seq.s32 s4, $0xFFFFFFFF;
	v1 =	vmov s3  }
0x15f: {  	s14 =	stileid.u32;
	v0 =	vperm.xlane v0, v2;
	p1 =	sne.s32 @!p0 s0, s2;
	v1 =	vperm.xlane v1, v3  }
0x160: {  	vm0 =	vcmask $0x3F04;
	s6 =	simm.s32 $0xA108;
	s0 =	simm.s32 @!p0 $0x1;
	p1 =	por !p1, p0  }
0x161: {  	s3 =	sshll.u32 s14, $0x1;
	s2 =	sshll.u32 @!p0 s4, $0x8;
	s0 =	simm.s32 @p1 $0x0;
	v0 =	vsel vm0, v1, v0  }
0x162: {  	s5 =	sor.u32 $0x800, s3;
	s2 =	sshra.s32 @!p0 s2, $0x2;
	s0 =	sor.u32 @!p0 s0, s3;
	[tilespmem:$0xA108] =	vst v0  }
0x163: {  	[spmem:s5] =	stream.linear.scatter [tilespmem:s6], [sflag:$0x1], $0x2, $0x38;
	[tilespmem:$0x1EF88] =	vst v63  }
0x164: {  	s2 =	sadd.s32 @!p0 $0x88, s2;
	s0 =	sshll.u32 @!p0 s0, $0x6  }
0x165: {  	[spmem:s0] =	stream.linear.scatter @!p0 [tilespmem:s2], [sflag:$0x1], $0x40, $0x38;
	[tilespmem:$0x1EF88] =	vst v63  }
0x166: {  	s0 =	simm.s32 @!p0 $0x42  }
0x167: {  	s28 =	simm.s32 $0x1;
	s0 =	simm.s32 @p0 $0x2  }
0x168: {  	_ =	swait.ge [sflag:s28], s0  }
0x169: {  	s0 =	ssub.s32 $0x0, s0;
	[sflag:s28] =	ssyncset.done $0x0  }
0x16a: {  	p0 =	sne.s32 s14, $0x0;
	[sflag:s28] =	ssyncadd.s32 s0  }
.Ltmp19:
0x16b: {  	_ =	sfence.stream.spmem;
	(pc) =	sbr.rel @p0 .LBB2_43-.Ltmp19, $4  }
0x16c: {  	s29 =	simm.s32 $0x3;
	[bflag:$0x0] =	sbarrier.arrive $0xFFFF  }
0x16d: {  	s30 =	simm.s32 $0x4;
	[sflag:s29] =	ssyncpa.u1 $0x1  }
0x16e: {  	s31 =	simm.s32 $0x3C;
	[sflag:s30] =	ssyncpa.u1 $0x1  }
0x16f: {  	s13 =	rddreg [dreg:$0x4];
	[sflag:s31] =	ssyncpa.u1 $0x1  }
0x170: {  	_ =	sfence.stream.spmem;
	s0 =	simm.s32 $0x5  }
0x171: {  	s2 =	simm.s32 $0x800;
	s3 =	simm.s32 $0xA118;
	[sflag:s0] =	ssyncpa.u1 $0x0  }
0x172: {  	[tilespmem:s3], [sflag:$0x5] =	stream.linear.gather [spmem:s2], $0x20, $0x38;
	[tilespmem:$0x1EF88] =	vst v63  }
0x173: {  	s26 =	simm.s32 $0x0;
	s28 =	simm.s32 $0xA138  }
0x174: {  	[tilespmem:s28], [sflag:$0x5] =	stream.linear.gather [spmem:s26], $0x800, $0x38;
	[tilespmem:$0x1EF88] =	vst v63  }
0x175: {  	_ =	swait.ge [sflag:s0], $0x820  }
0x176: {  	[sflag:s0] =	ssyncset.done $0x0  }
0x177: {  	s29 =	simm.s32 $0x0;
	[sflag:s0] =	ssyncadd.s32 $0xFFFFF7E0  }
0x178: {  	v0 =	vld.msk [tilespmem:s29+$0xA118], $0x1;
	_ =	sdelay $0x1  }
0x179: {  	s30 =	simm.s32 $0x1  }
0x17a: {  	v1 =	vld.msk [tilespmem:s30+$0xA118], $0x1;
	_ =	sdelay $0x1  }
0x17b: {  	(v2sf) =	vpush v0, $0x0;
	_ =	sdelay $0x2  }
0x17c: {  	(v2sf) =	vpush v1, $0x0;
	_ =	sdelay $0x2  }
0x17d: {  	s31 =	simm.s32 $0x2  }
0x17e: {  	v0 =	vld.msk [tilespmem:s31+$0xA118], $0x1;
	_ =	sdelay $0x2  }
0x17f: {  	s2 =	simm.s32 $0xFFFFFFFF;
	s3 =	simm.s32 $0xFFFFFFFF;
	s0 =	simm.s32 $0xC  }
.LBB2_28:
0x180: {  	s4 =	smov.u32 s3;
	s5 =	smov.u32 s2  }
0x181: {  	s2 =	sshra.s32 s0, $0x2;
	p1 =	sne.s32 s0, $0x7C;
	s0 =	sadd.s32 $0x4, s0;
	(v2sf) =	vpush v0, $0x0  }
0x182: {  	v0 =	vld.msk [tilespmem:s2+$0xA118], $0x1  }
.Ltmp20:
0x183: {  	(pc) =	sbr.rel @p1 .LBB2_28-.Ltmp20, $4  }
0x184: {  	s3 =	spop (v2sf)  }
0x185: {  	p2 =	sne.s32 s5, $0xFFFFFFFF;
	s2 =	smov.u32 s3  }
0x186: {  	p3 =	seq.s32 s3, $0xFFFFFFFF;
	s2 =	smov.u32 @p2 s5  }
0x187: {  	s3 =	smov.u32 @p3 s4;
	s2 =	smov.u32 @p3 s5  }
0x188: {  	(v2sf) =	vpush v0, $0x0;
	_ =	sdelay $0x8  }
0x189: {  	s0 =	spop (v2sf)  }
0x18a: {  	p1 =	sne.s32 s2, $0xFFFFFFFF;
	s4 =	smov.u32 s0  }
0x18b: {  	s6 =	simm.s32 $0x0;
	p2 =	seq.s32 s0, $0xFFFFFFFF;
	s4 =	smov.u32 @p1 s2  }
0x18c: {  	s9 =	simm.s32 $0xA0C8;
	s4 =	smov.u32 @p2 s2;
	s2 =	spop (v2sf)  }
0x18d: {  	s0 =	smov.u32 @p2 s3;
	p1 =	sne.s32 s4, $0xFFFFFFFF;
	s5 =	smov.u32 s2  }
.Ltmp21:
0x18e: {  	p2 =	seq.s32 s2, $0xFFFFFFFF;
	s5 =	smov.u32 @p1 s4;
	(pc) =	sbr.rel .LBB2_30-.Ltmp21, $4  }
0x18f: {  	s10 =	simm.s32 $0x0;
	s5 =	smov.u32 @p2 s4;
	s7 =	spop (v2sf)  }
0x190: {  	s2 =	smov.u32 @p2 s0;
	p1 =	sne.s32 s5, $0xFFFFFFFF;
	s8 =	smov.u32 s7  }
0x191: {  	s0 =	simm.s32 $0x6;
	p2 =	seq.s32 s7, $0xFFFFFFFF;
	s8 =	smov.u32 @p1 s5  }
0x192: {  	[sflag:s0] =	ssyncpa.u1 $0x0;
	s7 =	smov.u32 @p2 s2;
	s8 =	smov.u32 @p2 s5  }
.LBB2_36:
0x193: {  	p1 =	sgt.u32 s2, $0xC34F8  }
0x194: {  	p2 =	seq.s32 @!p1 s2, s8  }
0x195: {  	p1 =	por p1, p2  }
0x196: {  	p2 =	sne.s32 @!p1 s2, s7  }
0x197: {  	p1 =	por p1, !p2  }
0x198: {  	s2 =	sshll.u32 @p1 s10, $0x8  }
0x199: {  	s3 =	sand.u32 @!p1 $0xFFFF8, s2  }
0x19a: {  	s2 =	sand.u32 @!p1 $0x7, s2;
	s3 =	sadd.s32 @!p1 s1, s3  }
0x19b: {  	[tilespmem:s9], [sflag:$0x6] =	stream.linear.gather @!p1 [hbm4b:s3+s2], $0x40, $0x38;
	[tilespmem:$0x1EF88] =	vst v63  }
0x19c: {  	_ =	swait.ge @!p1 [sflag:s0], $0x40  }
0x19d: {  	[sflag:s0] =	ssyncset.done @!p1 $0x0  }
0x19e: {  	[sflag:s0] =	ssyncadd.s32 @!p1 $0xFFFFFFC0  }
0x19f: {  	v1 =	vld @!p1 [tilespmem:$0xA0C8];
	_ =	sdelay $0x2  }
0x1a0: {  	s2 =	sshll.u32 @!p1 s10, $0x8  }
0x1a1: {  	s3 =	sshrl.u32 @!p1 s2, $0x2  }
0x1a2: {  	[tilespmem:s3+$0xA138] =	vst.add.f32.msk @!p1 $0xffff, v1  }
0x1a3: {  	v1 =	vld @!p1 [tilespmem:$0xA0D8];
	_ =	sdelay $0x4  }
0x1a4: {  	[tilespmem:s3+$0xA148] =	vst.add.f32.msk @!p1 $0xffff, v1  }
0x1a5: {  	v1 =	vld @!p1 [tilespmem:$0xA0E8];
	_ =	sdelay $0x4  }
0x1a6: {  	[tilespmem:s3+$0xA158] =	vst.add.f32.msk @!p1 $0xffff, v1  }
0x1a7: {  	v1 =	vld @!p1 [tilespmem:$0xA0F8];
	_ =	sdelay $0x4  }
0x1a8: {  	[tilespmem:s3+$0xA168] =	vst.add.f32.msk @!p1 $0xffff, v1  }
0x1a9: {  	s2 =	sshrl.u32 s2, $0x2;
	[tilespmem:s6+$0xA118] =	vst.msk $0x1, v0  }
0x1aa: {  	v0 =	vld [tilespmem:s2+$0xA138];
	_ =	sdelay $0x2  }
0x1ab: {  	s31 =	sshll.u32 s6, $0x8  }
0x1ac: {  	s3 =	sshra.s32 s31, $0x2  }
0x1ad: {  	[tilespmem:s3+$0xA138] =	vst v0  }
0x1ae: {  	v0 =	vld [tilespmem:s2+$0xA148];
	_ =	sdelay $0x4  }
0x1af: {  	[tilespmem:s3+$0xA148] =	vst v0  }
0x1b0: {  	v0 =	vld [tilespmem:s2+$0xA158];
	_ =	sdelay $0x4  }
0x1b1: {  	[tilespmem:s3+$0xA158] =	vst v0  }
0x1b2: {  	v0 =	vld [tilespmem:s2+$0xA168];
	_ =	sdelay $0x4  }
0x1b3: {  	s6 =	sadd.s32 $0x1, s6;
	[tilespmem:s3+$0xA168] =	vst v0  }
.LBB2_37:
0x1b4: {  	s10 =	sadd.s32 $0x1, s10  }
0x1b5: {  	p1 =	sne.s32 s10, $0x20  }
.Ltmp22:
0x1b6: {  	_ = 	snop;
	(pc) =	sbr.rel @!p1 .LBB2_38-.Ltmp22, $1  }
0x1b7: {  	_ =	sdelay $0x3  }
.LBB2_30:
0x1b8: {  	v0 =	vld.msk [tilespmem:s10+$0xA118], $0x1;
	_ =	sdelay $0x4  }
0x1b9: {  	(v2sf) =	vpush v0, $0x0;
	_ =	sdelay $0xe  }
0x1ba: {  	s2 =	spop (v2sf)  }
0x1bb: {  	p1 =	seq.s32 s2, $0xFFFFFFFF  }
.Ltmp23:
0x1bc: {  	_ = 	snop;
	(pc) =	sbr.rel @p1 .LBB2_37-.Ltmp23, $1  }
0x1bd: {  	_ =	sdelay $0x3  }
0x1be: {  	p1 =	slt.s32 s6, $0x1  }
.Ltmp24:
0x1bf: {  	_ = 	snop;
	(pc) =	sbr.rel @p1 .LBB2_36-.Ltmp24, $1  }
0x1c0: {  	_ =	sdelay $0x3  }
0x1c1: {  	s3 =	simm.s32 $0xA118;
	p1 =	por $0x0, $0x0  }
0x1c2: {  	v1 =	vld.msk @!p1 [tilespmem:s3+$0x0], $0x1;
	_ =	sdelay $0x4  }
0x1c3: {  	(v2sf) =	vpush @!p1 v1, $0x0;
	_ =	sdelay $0xd  }
0x1c4: {  	p3 =	sne.s32 s6, $0x1  }
.Ltmp25:
0x1c5: {  	s4 =	spop @!p1 (v2sf);
	(pc) =	sbr.rel @!p3 .LBB2_34-.Ltmp25, $4  }
0x1c6: {  	p2 =	seq.s32 @!p1 s2, s4  }
0x1c7: {  	s4 =	simm.s32 $0x0;
	p2 =	por !p2, p1  }
0x1c8: {  	s11 =	simm.s32 $0xFFFFFFFF;
	s4 =	simm.s32 @p2 $0xFFFFFFFF  }
0x1c9: {  	s5 =	simm.s32 $0x1;
	s4 =	smov.u32 @p1 s11  }
.LBB2_33:
0x1ca: {  	s11 =	smov.u32 s4;
	p1 =	sne.s32 s4, $0xFFFFFFFF  }
0x1cb: {  	s3 =	sadd.s32 $0x1, s3;
	s4 =	smov.u32 s5;
	s5 =	sadd.s32 $0x1, s5  }
0x1cc: {  	p2 =	sne.s32 s6, s5;
	v1 =	vld.msk @!p1 [tilespmem:s3+$0x0], $0x1;
	_ =	sdelay $0x4  }
0x1cd: {  	(v2sf) =	vpush @!p1 v1, $0x0;
	_ =	sdelay $0xe  }
.Ltmp26:
0x1ce: {  	s12 =	spop @!p1 (v2sf);
	(pc) =	sbr.rel @p2 .LBB2_33-.Ltmp26, $4  }
0x1cf: {  	p3 =	seq.s32 @!p1 s2, s12  }
0x1d0: {  	p3 =	por !p3, p1  }
0x1d1: {  	s4 =	simm.s32 @p3 $0xFFFFFFFF  }
0x1d2: {  	s4 =	smov.u32 @p1 s11  }
.LBB2_34:
0x1d3: {  	p1 =	seq.s32 s4, $0xFFFFFFFF  }
.Ltmp27:
0x1d4: {  	_ = 	snop;
	(pc) =	sbr.rel @p1 .LBB2_36-.Ltmp27, $1  }
0x1d5: {  	_ =	sdelay $0x3  }
0x1d6: {  	s2 =	sshll.u32 s10, $0x6  }
0x1d7: {  	s2 =	sand.u32 $0x3FFFFFC0, s2  }
0x1d8: {  	v0 =	vld [tilespmem:s2+$0xA138];
	_ =	sdelay $0x2  }
0x1d9: {  	s3 =	sshll.u32 s4, $0x8  }
0x1da: {  	s3 =	sshra.s32 s3, $0x2  }
0x1db: {  	[tilespmem:s3+$0xA138] =	vst.add.f32.msk $0xffff, v0  }
0x1dc: {  	v0 =	vld [tilespmem:s2+$0xA148];
	_ =	sdelay $0x4  }
0x1dd: {  	[tilespmem:s3+$0xA148] =	vst.add.f32.msk $0xffff, v0  }
0x1de: {  	v0 =	vld [tilespmem:s2+$0xA158];
	_ =	sdelay $0x4  }
0x1df: {  	[tilespmem:s3+$0xA158] =	vst.add.f32.msk $0xffff, v0  }
0x1e0: {  	v0 =	vld [tilespmem:s2+$0xA168]  }
.Ltmp28:
0x1e1: {  	_ = 	snop;
	(pc) =	sbr.rel .LBB2_37-.Ltmp28, $2  }
0x1e2: {  	_ =	sdelay $0x2  }
0x1e3: {  	[tilespmem:s3+$0xA168] =	vst.add.f32.msk $0xffff, v0  }
.LBB2_38:
0x1e4: {  	s0 =	simm.s32 $0x6;
	p1 =	seq.s32 s6, $0x0  }
0x1e5: {  	[sflag:s0] =	ssyncpa.u1 $0x1;
	v0 =	vimm.s32 @p1 $0xFFFFFFFF  }
0x1e6: {  	s0 =	sadd.s32 $0xFFFFFFFF, s6;
	[tilespmem:$0xA938] =	vst @p1 v0  }
0x1e7: {  	v0 =	vld.msk @!p1 [tilespmem:s0+$0xA118], $0x1;
	_ =	sdelay $0x1  }
0x1e8: {  	v1 =	vld.msk @!p1 [tilespmem:$0xA118], $0x1;
	_ =	sdelay $0x2  }
0x1e9: {  	p2 =	seq.s32 @!p1 s0, $0x0;
	v0 =	vbroadcast @!p1 v0, $0x0  }
0x1ea: {  	vm0 =	vmmov @!p1 $0x1;
	p2 =	por !p2, p1  }
0x1eb: {  	v1 =	vnsel @!p1 vm0, $0xFFFFFFFF, v1;
	vm0 =	vcmask @!p1 $0x308;
	v0 =	vpsel !p2, $0xFFFFFFFF, v0  }
0x1ec: {  	p2 =	sne.s32 @!p1 s8, s7;
	v0 =	vsel @!p1 vm0, v1, v0  }
0x1ed: {  	s2 =	simm.s32 @!p1 $0xA138;
	s3 =	simm.s32 @!p1 $0x0;
	p3 =	por !p2, p1;
	[tilespmem:$0xA938] =	vst @!p1 v0  }
0x1ee: {  	[spmem:s3] =	stream.linear.scatter @!p1 [tilespmem:s2], [sflag:$0x1], $0x40, $0x38;
	[tilespmem:$0x1EF88] =	vst v63  }
0x1ef: {  	s2 =	sshll.u32 @!p3 s0, $0x8  }
0x1f0: {  	s2 =	sshra.s32 @!p3 s2, $0x2  }
0x1f1: {  	s3 =	simm.s32 @!p3 $0x40;
	s2 =	sadd.s32 @!p3 $0xA138, s2  }
0x1f2: {  	[spmem:s3] =	stream.linear.scatter @!p3 [tilespmem:s2], [sflag:$0x1], $0x40, $0x38;
	[tilespmem:$0x1EF88] =	vst v63  }
0x1f3: {  	s2 =	simm.s32 @!p3 $0x1  }
0x1f4: {  	_ =	swait.ge @!p3 [sflag:s2], $0x80  }
0x1f5: {  	p1 =	por p2, p1;
	[sflag:s2] =	ssyncset.done @!p3 $0x0  }
0x1f6: {  	[sflag:s2] =	ssyncadd.s32 @!p3 $0xFFFFFF80;
	s2 =	simm.s32 @!p1 $0x1  }
0x1f7: {  	_ =	swait.ge @!p1 [sflag:s2], $0x40  }
0x1f8: {  	s29 =	simm.s32 $0xA938;
	[sflag:s2] =	ssyncset.done @!p1 $0x0  }
0x1f9: {  	s30 =	simm.s32 $0x800;
	s31 =	simm.s32 $0x1;
	[sflag:s2] =	ssyncadd.s32 @!p1 $0xFFFFFFC0  }
0x1fa: {  	[spmem:s30] =	stream.linear.scatter [tilespmem:s29], [sflag:$0x1], $0x10, $0x38;
	[tilespmem:$0x1EF88] =	vst v63  }
0x1fb: {  	_ =	swait.ge [sflag:s31], $0x10  }
0x1fc: {  	[sflag:s31] =	ssyncset.done $0x0  }
0x1fd: {  	p1 =	seq.s32 s13, $0x0;
	s9 =	rddreg [dreg:$0x1];
	[sflag:s31] =	ssyncadd.s32 $0xFFFFFFF0  }
0x1fe: {  	s3 =	sshll.u32 @p1 s9, $0xE;
	s8 =	rddreg [dreg:$0x2]  }
0x1ff: {  	s2 =	sadd.s32 @p1 $0x15C3C, s3;
	s3 =	sshll.u32 @p1 s8, $0x11  }
0x200: {  	_ =	sfence.stream.spmem;
	s2 =	sor.u32 @p1 s3, s2  }
0x201: {  	[sflag:s2] =	ssyncadd.remote.s32 @p1 $0x1;
	s2 =	simm.s32 @p1 $0x4  }
0x202: {  	s4 =	simm.s32 @!p1 $0x3C;
	s3 =	sand.u32 $0xFFFFFFFE, s9;
	_ =	swait.ge @p1 [sflag:s2], $0x12  }
0x203: {  	s5 =	simm.s32 @!p1 $0x0;
	s3 =	sadd.s32 @!p1 $0x4, s3;
	[sflag:s2] =	ssyncset.done @p1 $0x0  }
0x204: {  	s7 =	simm.s32 @!p1 $0x80;
	[sflag:s2] =	ssyncadd.s32 @p1 $0xFFFFFFEE;
	s2 =	sshll.u32 @!p1 s3, $0x1A  }
0x205: {  	s3 =	sshll.u32 @!p1 s3, $0xD;
	s2 =	sor.u32 @!p1 s2, s8;
	_ =	swait.eq @!p1 [sflag:s4], $0x1  }
0x206: {  	s3 =	sor.u32 @!p1 $0x1C04, s3;
	s4 =	simm.s32 @!p1 $0x1C03;
	s2 =	sor.u32 @!p1 $0x80004000, s2  }
0x207: {  	[spmem:s7], [sflag:s3] =	dma.general @!p1 [spmem:s5], [sflag:s4], length:$0x10, [dreg:$0x0], stride_count:$0x0, ici_dest:s2, dma_misc:DstOpCode:WRITE  }
0x208: {  	p2 =	slt.s32 s0, $0x2;
	s5 =	simm.s32 @!p1 $0x100;
	s7 =	simm.s32 @!p1 $0x102  }
0x209: {  	[spmem:s7], [sflag:s3] =	dma.general @!p1 [spmem:s5], [sflag:s4], length:$0x2, [dreg:$0x0], stride_count:$0x0, ici_dest:s2, dma_misc:DstOpCode:WRITE  }
.Ltmp29:
0x20a: {  	s2 =	simm.s32 @!p1 $0x3;
	(pc) =	sbr.rel @p2 .LBB2_42-.Ltmp29, $4  }
0x20b: {  	s3 =	sshll.u32 @!p1 s9, $0xE;
	_ =	swait.ge @!p1 [sflag:s2], $0x12  }
0x20c: {  	s4 =	sshll.u32 @!p1 s8, $0x11;
	s3 =	sadd.s32 @!p1 $0x11C3C, s3;
	[sflag:s2] =	ssyncset.done @!p1 $0x0  }
0x20d: {  	[sflag:s2] =	ssyncadd.s32 @!p1 $0xFFFFFFEE;
	s2 =	sor.u32 @!p1 s4, s3  }
0x20e: {  	s0 =	simm.s32 $0x0;
	[sflag:s2] =	ssyncadd.remote.s32 @!p1 $0xFFFFFFFF  }
0x20f: {  	s0 =	simm.s32 $0xA119  }
0x210: {  	v0 =	vld.msk [tilespmem:s0+$0x0], $0x1;
	_ =	sdelay $0x4  }
0x211: {  	(v2sf) =	vpush v0, $0x0;
	_ =	sdelay $0xc  }
0x212: {  	s2 =	sadd.s32 $0xFFFFFFFE, s6  }
0x213: {  	s2 =	sadd.s32 $0xFFFFFFFF, s2  }
0x214: {  	p2 =	sne.s32 s2, $0x0;
	s3 =	spop (v2sf)  }
.Ltmp30:
0x215: {  	p1 =	sgt.u32 s3, $0xC34F8;
	(pc) =	sbr.rel @!p2 .LBB2_41-.Ltmp30, $4  }
0x216: {  	s5 =	simm.s32 $0x0;
	s4 =	sand.u32 @!p1 $0xFFFF8, s3  }
0x217: {  	s0 =	simm.s32 $0xA178;
	s3 =	sand.u32 @!p1 $0x7, s3;
	s4 =	sadd.s32 @!p1 s1, s4  }
0x218: {  	[hbm4b:s4+s3] =	stream.linear.scatter @!p1 [tilespmem:s0], [sflag:$0x5], $0x40, $0x38;
	[tilespmem:$0x1EF88] =	vst v63  }
0x219: {  	s5 =	simm.s32 @!p1 $0x100;
	s3 =	simm.s32 $0x0;
	s4 =	simm.s32 $0xA11A  }
.LBB2_40:
0x21a: {  	v0 =	vld.msk [tilespmem:s4+$0x0], $0x1;
	s2 =	sadd.s32 $0xFFFFFFFF, s2;
	s3 =	sadd.s32 s3, s5  }
0x21b: {  	p1 =	sne.s32 s2, $0x0;
	_ =	sdelay $0x3  }
0x21c: {  	(v2sf) =	vpush v0, $0x0;
	_ =	sdelay $0xe  }
.Ltmp31:
0x21d: {  	s6 =	spop (v2sf);
	(pc) =	sbr.rel @p1 .LBB2_40-.Ltmp31, $4  }
0x21e: {  	s5 =	simm.s32 $0x0;
	p2 =	sgt.u32 s6, $0xC34F8  }
0x21f: {  	s0 =	sadd.s32 $0x40, s0;
	s5 =	simm.s32 @!p2 $0x100;
	s7 =	sand.u32 @!p2 $0xFFFF8, s6  }
0x220: {  	s4 =	sadd.s32 $0x1, s4;
	s6 =	sand.u32 @!p2 $0x7, s6;
	s7 =	sadd.s32 @!p2 s1, s7  }
0x221: {  	[hbm4b:s7+s6] =	stream.linear.scatter @!p2 [tilespmem:s0], [sflag:$0x5], $0x40, $0x38;
	[tilespmem:$0x1EF88] =	vst v63  }
.LBB2_41:
0x222: {  	s0 =	sadd.s32 s3, s5  }
0x223: {  	s0 =	sshrl.u32 s0, $0x2  }
.LBB2_42:
0x224: {  	s2 =	simm.s32 $0x5  }
0x225: {  	_ =	swait.ge [sflag:s2], s0  }
0x226: {  	s31 =	ssub.s32 $0x0, s0;
	[sflag:s2] =	ssyncset.done $0x0  }
0x227: {  	[sflag:s2] =	ssyncadd.s32 s31  }
0x228: {  	[sflag:s2] =	ssyncpa.u1 $0x1  }
.LBB2_43:
0x229: {  	s0 =	sor.u32 s13, s14  }
0x22a: {  	p1 =	sne.s32 s0, $0x0  }
.Ltmp32:
0x22b: {  	_ = 	snop;
	(pc) =	sbr.rel @p1 .LBB2_58-.Ltmp32, $3  }
0x22c: {  	_ =	sdelay $0x1  }
0x22d: {  	[bflag:$0x0] =	sbarrier.arrive $0xFFFF  }
0x22e: {  	_ =	sfence  }
0x22f: {  	s2 =	simm.s32 $0x7  }
0x230: {  	s0 =	simm.s32 $0x800;
	s3 =	simm.s32 $0xA118;
	[sflag:s2] =	ssyncpa.u1 $0x0  }
0x231: {  	[tilespmem:s3], [sflag:$0x7] =	stream.linear.gather [spmem:s0], $0x20, $0x38;
	[tilespmem:$0x1EF88] =	vst v63  }
0x232: {  	s30 =	simm.s32 $0xA138;
	s0 =	simm.s32 $0x0  }
0x233: {  	[tilespmem:s30], [sflag:$0x7] =	stream.linear.gather [spmem:s0], $0x800, $0x38;
	[tilespmem:$0x1EF88] =	vst v63  }
.Ltmp33:
0x234: {  	_ = 	snop;
	(pc) =	sbr.rel .LBB2_45-.Ltmp33, $4  }
0x235: {  	_ =	swait.ge [sflag:s2], $0x820  }
0x236: {  	[sflag:s2] =	ssyncset.done $0x0  }
0x237: {  	s31 =	simm.s32 $0x8;
	[sflag:s2] =	ssyncadd.s32 $0xFFFFF7E0  }
0x238: {  	s2 =	simm.s32 $0x0;
	[sflag:s31] =	ssyncpa.u1 $0x0  }
.LBB2_51:
0x239: {  	p1 =	slt.u32 s3, $0xC34F9  }
0x23a: {  	s4 =	sand.u32 @p1 $0xFFFF8, s3  }
0x23b: {  	s3 =	sand.u32 @p1 $0x7, s3;
	s5 =	simm.s32 @p1 $0xA0C8;
	s4 =	sadd.s32 @p1 s1, s4  }
0x23c: {  	[tilespmem:s5], [sflag:$0x8] =	stream.linear.gather @p1 [hbm4b:s4+s3], $0x40, $0x38;
	[tilespmem:$0x1EF88] =	vst v63  }
0x23d: {  	s3 =	simm.s32 @p1 $0x8  }
0x23e: {  	_ =	swait.ge @p1 [sflag:s3], $0x40  }
0x23f: {  	[sflag:s3] =	ssyncset.done @p1 $0x0  }
0x240: {  	[sflag:s3] =	ssyncadd.s32 @p1 $0xFFFFFFC0  }
0x241: {  	v1 =	vld @p1 [tilespmem:$0xA0C8];
	_ =	sdelay $0x2  }
0x242: {  	s3 =	sshll.u32 @p1 s2, $0x8  }
0x243: {  	s4 =	sshrl.u32 @p1 s3, $0x2  }
0x244: {  	[tilespmem:s4+$0xA138] =	vst.add.f32.msk @p1 $0xffff, v1  }
0x245: {  	v1 =	vld @p1 [tilespmem:$0xA0D8];
	_ =	sdelay $0x4  }
0x246: {  	[tilespmem:s4+$0xA148] =	vst.add.f32.msk @p1 $0xffff, v1  }
0x247: {  	v1 =	vld @p1 [tilespmem:$0xA0E8];
	_ =	sdelay $0x4  }
0x248: {  	[tilespmem:s4+$0xA158] =	vst.add.f32.msk @p1 $0xffff, v1  }
0x249: {  	v1 =	vld @p1 [tilespmem:$0xA0F8];
	_ =	sdelay $0x3  }
0x24a: {  	s5 =	sshll.u32 @!p1 s2, $0x8  }
0x24b: {  	s5 =	smov.u32 @p1 s3;
	[tilespmem:s4+$0xA168] =	vst.add.f32.msk @p1 $0xffff, v1  }
0x24c: {  	s3 =	sshrl.u32 s5, $0x2;
	[tilespmem:s0+$0xA118] =	vst.msk $0x1, v0  }
0x24d: {  	v0 =	vld [tilespmem:s3+$0xA138];
	_ =	sdelay $0x2  }
0x24e: {  	s31 =	sshll.u32 s0, $0x8  }
0x24f: {  	s4 =	sshra.s32 s31, $0x2  }
0x250: {  	[tilespmem:s4+$0xA138] =	vst v0  }
0x251: {  	v0 =	vld [tilespmem:s3+$0xA148];
	_ =	sdelay $0x4  }
0x252: {  	[tilespmem:s4+$0xA148] =	vst v0  }
0x253: {  	v0 =	vld [tilespmem:s3+$0xA158];
	_ =	sdelay $0x4  }
0x254: {  	[tilespmem:s4+$0xA158] =	vst v0  }
0x255: {  	v0 =	vld [tilespmem:s3+$0xA168];
	_ =	sdelay $0x4  }
0x256: {  	s0 =	sadd.s32 $0x1, s0;
	[tilespmem:s4+$0xA168] =	vst v0  }
.LBB2_52:
0x257: {  	s2 =	sadd.s32 $0x1, s2  }
0x258: {  	p1 =	sne.s32 s2, $0x20  }
.Ltmp34:
0x259: {  	_ = 	snop;
	(pc) =	sbr.rel @!p1 .LBB2_53-.Ltmp34, $1  }
0x25a: {  	_ =	sdelay $0x3  }
.LBB2_45:
0x25b: {  	v0 =	vld.msk [tilespmem:s2+$0xA118], $0x1;
	_ =	sdelay $0x4  }
0x25c: {  	(v2sf) =	vpush v0, $0x0;
	_ =	sdelay $0xe  }
0x25d: {  	s3 =	spop (v2sf)  }
0x25e: {  	p1 =	seq.s32 s3, $0xFFFFFFFF  }
.Ltmp35:
0x25f: {  	_ = 	snop;
	(pc) =	sbr.rel @p1 .LBB2_52-.Ltmp35, $1  }
0x260: {  	_ =	sdelay $0x3  }
0x261: {  	p1 =	slt.s32 s0, $0x1  }
.Ltmp36:
0x262: {  	_ = 	snop;
	(pc) =	sbr.rel @p1 .LBB2_51-.Ltmp36, $1  }
0x263: {  	_ =	sdelay $0x3  }
0x264: {  	s4 =	simm.s32 $0xA118;
	p1 =	por $0x0, $0x0  }
0x265: {  	v1 =	vld.msk @!p1 [tilespmem:s4+$0x0], $0x1;
	_ =	sdelay $0x4  }
0x266: {  	(v2sf) =	vpush @!p1 v1, $0x0;
	_ =	sdelay $0xd  }
0x267: {  	p3 =	sne.s32 s0, $0x1  }
.Ltmp37:
0x268: {  	s5 =	spop @!p1 (v2sf);
	(pc) =	sbr.rel @!p3 .LBB2_49-.Ltmp37, $4  }
0x269: {  	p2 =	seq.s32 @!p1 s3, s5  }
0x26a: {  	s5 =	simm.s32 $0x0;
	p2 =	por !p2, p1  }
0x26b: {  	s7 =	simm.s32 $0xFFFFFFFF;
	s5 =	simm.s32 @p2 $0xFFFFFFFF  }
0x26c: {  	s6 =	simm.s32 $0x1;
	s5 =	smov.u32 @p1 s7  }
.LBB2_48:
0x26d: {  	s7 =	smov.u32 s5;
	p1 =	sne.s32 s5, $0xFFFFFFFF  }
0x26e: {  	s4 =	sadd.s32 $0x1, s4;
	s5 =	smov.u32 s6;
	s6 =	sadd.s32 $0x1, s6  }
0x26f: {  	p2 =	sne.s32 s0, s6;
	v1 =	vld.msk @!p1 [tilespmem:s4+$0x0], $0x1;
	_ =	sdelay $0x4  }
0x270: {  	(v2sf) =	vpush @!p1 v1, $0x0;
	_ =	sdelay $0xe  }
.Ltmp38:
0x271: {  	s8 =	spop @!p1 (v2sf);
	(pc) =	sbr.rel @p2 .LBB2_48-.Ltmp38, $4  }
0x272: {  	p3 =	seq.s32 @!p1 s3, s8  }
0x273: {  	p3 =	por !p3, p1  }
0x274: {  	s5 =	simm.s32 @p3 $0xFFFFFFFF  }
0x275: {  	s5 =	smov.u32 @p1 s7  }
.LBB2_49:
0x276: {  	p1 =	seq.s32 s5, $0xFFFFFFFF  }
.Ltmp39:
0x277: {  	_ = 	snop;
	(pc) =	sbr.rel @p1 .LBB2_51-.Ltmp39, $1  }
0x278: {  	_ =	sdelay $0x3  }
0x279: {  	s3 =	sshll.u32 s2, $0x6  }
0x27a: {  	s3 =	sand.u32 $0x3FFFFFC0, s3  }
0x27b: {  	v0 =	vld [tilespmem:s3+$0xA138];
	_ =	sdelay $0x2  }
0x27c: {  	s4 =	sshll.u32 s5, $0x8  }
0x27d: {  	s4 =	sshra.s32 s4, $0x2  }
0x27e: {  	[tilespmem:s4+$0xA138] =	vst.add.f32.msk $0xffff, v0  }
0x27f: {  	v0 =	vld [tilespmem:s3+$0xA148];
	_ =	sdelay $0x4  }
0x280: {  	[tilespmem:s4+$0xA148] =	vst.add.f32.msk $0xffff, v0  }
0x281: {  	v0 =	vld [tilespmem:s3+$0xA158];
	_ =	sdelay $0x4  }
0x282: {  	[tilespmem:s4+$0xA158] =	vst.add.f32.msk $0xffff, v0  }
0x283: {  	v0 =	vld [tilespmem:s3+$0xA168]  }
.Ltmp40:
0x284: {  	_ = 	snop;
	(pc) =	sbr.rel .LBB2_52-.Ltmp40, $2  }
0x285: {  	_ =	sdelay $0x2  }
0x286: {  	[tilespmem:s4+$0xA168] =	vst.add.f32.msk $0xffff, v0  }
.LBB2_53:
0x287: {  	p1 =	slt.s32 s0, $0x1  }
.Ltmp41:
0x288: {  	_ = 	snop;
	(pc) =	sbr.rel @p1 .LBB2_57-.Ltmp41, $3  }
0x289: {  	_ =	sdelay $0x1  }
0x28a: {  	s2 =	simm.s32 $0x8  }
0x28b: {  	[sflag:s2] =	ssyncpa.u1 $0x1;
	s2 =	simm.s32 $0x0  }
0x28c: {  	s3 =	simm.s32 $0xA118  }
0x28d: {  	v0 =	vld.msk [tilespmem:s3+$0x0], $0x1;
	_ =	sdelay $0x4  }
0x28e: {  	(v2sf) =	vpush v0, $0x0;
	_ =	sdelay $0xe  }
0x28f: {  	s0 =	sadd.s32 $0xFFFFFFFF, s0;
	s4 =	spop (v2sf)  }
0x290: {  	p2 =	sne.s32 s0, $0x0;
	p1 =	sgt.u32 s4, $0xC34F8  }
.Ltmp42:
0x291: {  	s5 =	sand.u32 @!p1 $0xFFFF8, s4;
	(pc) =	sbr.rel @!p2 .LBB2_56-.Ltmp42, $4  }
0x292: {  	s3 =	simm.s32 $0xA138;
	s4 =	sand.u32 @!p1 $0x7, s4;
	s5 =	sadd.s32 @!p1 s1, s5  }
0x293: {  	[hbm4b:s5+s4] =	stream.linear.scatter @!p1 [tilespmem:s3], [sflag:$0x7], $0x40, $0x38;
	[tilespmem:$0x1EF88] =	vst v63  }
0x294: {  	s5 =	simm.s32 $0x0  }
0x295: {  	s4 =	simm.s32 $0xA119;
	s5 =	simm.s32 @!p1 $0x100  }
.LBB2_55:
0x296: {  	v0 =	vld.msk [tilespmem:s4+$0x0], $0x1;
	s0 =	sadd.s32 $0xFFFFFFFF, s0;
	s2 =	sadd.s32 s2, s5  }
0x297: {  	p1 =	sne.s32 s0, $0x0;
	_ =	sdelay $0x3  }
0x298: {  	(v2sf) =	vpush v0, $0x0;
	_ =	sdelay $0xe  }
.Ltmp43:
0x299: {  	s6 =	spop (v2sf);
	(pc) =	sbr.rel @p1 .LBB2_55-.Ltmp43, $4  }
0x29a: {  	s5 =	simm.s32 $0x0;
	p2 =	sgt.u32 s6, $0xC34F8  }
0x29b: {  	s3 =	sadd.s32 $0x40, s3;
	s5 =	simm.s32 @!p2 $0x100;
	s7 =	sand.u32 @!p2 $0xFFFF8, s6  }
0x29c: {  	s4 =	sadd.s32 $0x1, s4;
	s6 =	sand.u32 @!p2 $0x7, s6;
	s7 =	sadd.s32 @!p2 s1, s7  }
0x29d: {  	[hbm4b:s7+s6] =	stream.linear.scatter @!p2 [tilespmem:s3], [sflag:$0x7], $0x40, $0x38;
	[tilespmem:$0x1EF88] =	vst v63  }
.LBB2_56:
0x29e: {  	s0 =	sadd.s32 s2, s5  }
0x29f: {  	s2 =	sshrl.u32 s0, $0x2  }
.LBB2_57:
0x2a0: {  	s0 =	simm.s32 $0x7  }
0x2a1: {  	_ =	swait.ge [sflag:s0], s2  }
0x2a2: {  	s1 =	ssub.s32 $0x0, s2;
	[sflag:s0] =	ssyncset.done $0x0  }
0x2a3: {  	[sflag:s0] =	ssyncadd.s32 s1  }
0x2a4: {  	[sflag:s0] =	ssyncpa.u1 $0x1  }
.LBB2_58:
0x2a5: {  	_ =	sfence;
	s0 =	simm.s32 $0x1  }
0x2a6: {  	[sflag:s0] =	ssyncpa.u1 $0x1  }
0x2a7: {  	_ =	strace $0x9000004A  }
0x2a8: {  	[bflag:$0x2] =	sbarrier.arrive $0xFFFF  }
0x2a9: {  	s0 =	rddreg [dreg:$0x3]  }
0x2aa: {  	s0 =	sadd.s32 @!p0 $0x100000, s0  }
0x2ab: {  	[sflag:s0] =	ssyncadd.tile.s32 @!p0 $0x1;
	_ =	shalt  }
.Lfunc_end2:
_tile_overlayer_lowered:
.L_overlay_start_2:
0x2ac: {  	(tag) =	ssettag $0x2  }
0x2ad: {  	s0 =	rddreg [dreg:$0x0];
	s2 =	stileid.u32  }
0x2ae: {  	s1 =	rddreg [dreg:$0x1];
	p0 =	sne.s32 s2, $0x0  }
0x2af: {  	s3 =	rddreg [dreg:$0x2];
	[bflag:$0x3] =	sbarrier.arrive $0xFFFF;
	s2 =	simm.s32 @!p0 $0x1C01  }
0x2b0: {  	[timem:s3], [sflag:s2] =	dma.local @!p0 [hbm:s0], s1  }
0x2b1: {  	s0 =	simm.s32 @!p0 $0x1  }
0x2b2: {  	_ =	swait.ge @!p0 [sflag:s0], s1  }
0x2b3: {  	s1 =	ssub.s32 @!p0 $0x0, s1;
	[sflag:s0] =	ssyncset.done @!p0 $0x0  }
0x2b4: {  	[sflag:s0] =	ssyncadd.s32 @!p0 s1  }
0x2b5: {  	[bflag:$0x3] =	sbarrier.arrive $0xFFFF  }
0x2b6: {  	_ =	shalt  }

</sc_bundles>
